<compile_context>
chip_gen: v7x
topology: tpu7x:2x2x1
jax: 0.10.2.dev20260603
libtpu: 0.0.44.dev20260713+nightly
codegen_flags: <defaults>
</compile_context>

<pallas_src>
import functools

import jax
import jax.numpy as jnp
from jax import lax
from jax.experimental import pallas as pl
from jax.experimental.pallas import tpu as pltpu
from jax.experimental.pallas import tpu_sc as plsc

BETA = 2.0 / 3.0
GAMMA = -0.1
ZETA = 1.1
N_FEATURES = 65536
N_TARGETS = 4096

NC = 2
NS = 16
L = 16
NW = NC * NS
BLK = 4096
NBUF = 4
ROT = N_TARGETS // NS
FPT = N_FEATURES // NS


def _sum2_body(p_ref, o_ref):
    o_ref[...] = p_ref[0, :] + p_ref[1, :]


def _sum_partials(partials):
    return pl.pallas_call(
        _sum2_body,
        out_shape=jax.ShapeDtypeStruct((N_TARGETS,), jnp.float32),
    )(partials)


def _sc_body(nnz, vals_hbm, lw_hbm, la_hbm, rows_hbm, cols_hbm, out_hbm,
             table_v, y_acc, lw_v,
             r0, r1, r2, r3, c0, c1, c2, c3, v0, v1, v2, v3,
             tab_sh, y_sh, tab_sem, in_sems):
    la_v = v3
    rows_v = (r0, r1, r2, r3)
    cols_v = (c0, c1, c2, c3)
    vals_v = (v0, v1, v2, v3)
    c = lax.axis_index("c")
    s = lax.axis_index("s")
    wid = c * NS + s
    per_tile = nnz // NW
    nblocks = per_tile // BLK
    base = wid * per_tile
    rot = s * ROT

    def start_in(buf, i):
        off = base + i * BLK
        pltpu.async_copy(rows_hbm.at[pl.ds(off, BLK)], rows_v[buf],
                         in_sems.at[buf])
        pltpu.async_copy(cols_hbm.at[pl.ds(off, BLK)], cols_v[buf],
                         in_sems.at[buf])
        pltpu.async_copy(vals_hbm.at[pl.ds(off, BLK)], vals_v[buf],
                         in_sems.at[buf])

    def wait_in(buf):
        pltpu.make_async_copy(rows_hbm.at[pl.ds(0, BLK)], rows_v[buf],
                              in_sems.at[buf]).wait()
        pltpu.make_async_copy(cols_hbm.at[pl.ds(0, BLK)], cols_v[buf],
                              in_sems.at[buf]).wait()
        pltpu.make_async_copy(vals_hbm.at[pl.ds(0, BLK)], vals_v[buf],
                              in_sems.at[buf]).wait()

    for b in range(NBUF - 1):
        start_in(b, b)

    f0 = s * FPT
    pltpu.async_copy(lw_hbm.at[pl.ds(f0, FPT)], lw_v, tab_sem).wait()
    pltpu.async_copy(la_hbm.at[pl.ds(f0, FPT)], la_v, tab_sem).wait()

    def wbody(i, carry):
        sl = pl.ds(i * L, L)
        e = jnp.exp(la_v[sl] * jnp.float32(-1.0 / BETA))
        sig = jnp.float32(1.0) / (jnp.float32(1.0) + e)
        gate = jnp.clip(sig * jnp.float32(ZETA - GAMMA) + jnp.float32(GAMMA),
                        jnp.float32(0.0), jnp.float32(1.0))
        y_acc[sl] = jnp.exp(lw_v[sl]) * gate
        return carry
    lax.fori_loop(0, FPT // L, wbody, 0)
    pltpu.sync_copy(y_acc, tab_sh.at[pl.ds(f0, FPT)])
    plsc.subcore_barrier()
    tab_cp = pltpu.async_copy(tab_sh, table_v, tab_sem)

    def init_body(i, carry):
        y_acc[pl.ds(i * L, L)] = jnp.zeros((L,), jnp.float32)
        return carry
    lax.fori_loop(0, N_TARGETS // L, init_body, 0)

    @pl.when(s == 0)
    def _zero_shared():
        pltpu.sync_copy(y_acc, y_sh)

    tab_cp.wait()
    unrot = jnp.int32(N_TARGETS) - rot
    nsuper = nblocks // NBUF

    def superstep(t, carry):
        for sub in range(NBUF):
            i = t * NBUF + sub
            buf = sub
            wait_in(buf)

            rows_b = rows_v[buf]
            cols_b = cols_v[buf]
            vals_b = vals_v[buf]

            @plsc.parallel_loop(0, BLK // L, unroll=16)
            def _gather(j):
                sl = pl.ds(j * L, L)
                w = plsc.load_gather(table_v, [cols_b[sl]])
                idx = (rows_b[sl] + unrot) & (N_TARGETS - 1)
                plsc.addupdate_scatter(y_acc, [idx], vals_b[sl] * w)

            nxt = i + (NBUF - 1)

            @pl.when(nxt < nblocks)
            def _prefetch():
                start_in((sub + NBUF - 1) % NBUF, nxt)
        return carry

    lax.fori_loop(0, nsuper, superstep, 0)

    rem = nblocks - nsuper * NBUF
    assert rem == 0, "nblocks must be divisible by NBUF"

    iota_v = rows_v[0]

    def iota_body(i, carry):
        sl = pl.ds(i * L, L)
        iota_v[sl] = (lax.iota(jnp.int32, L) + (i * L + rot)) & (N_TARGETS - 1)
        return carry
    lax.fori_loop(0, N_TARGETS // L, iota_body, 0)

    plsc.subcore_barrier()
    pltpu.sync_copy(y_acc, y_sh.at[iota_v], add=True)
    plsc.subcore_barrier()

    @pl.when(s == 0)
    def _emit():
        pltpu.sync_copy(y_sh, out_hbm.at[c])


def kernel(vals, log_weight, log_alpha, rows, cols):
    nnz = vals.shape[0]

    mesh = plsc.VectorSubcoreMesh(
        core_axis_name="c", subcore_axis_name="s", num_cores=NC)
    sc = pl.kernel(
        functools.partial(_sc_body, nnz),
        out_type=jax.ShapeDtypeStruct((NC, N_TARGETS), jnp.float32),
        mesh=mesh,
        compiler_params=pltpu.CompilerParams(needs_layout_passes=False),
        scratch_types=[
            pltpu.VMEM((N_FEATURES,), jnp.float32),
            pltpu.VMEM((N_TARGETS,), jnp.float32),
            pltpu.VMEM((FPT,), jnp.float32),
        ] + [pltpu.VMEM((BLK,), jnp.int32)] * (2 * NBUF)
          + [pltpu.VMEM((BLK,), jnp.float32)] * NBUF
          + [
            pltpu.VMEM_SHARED((N_FEATURES,), jnp.float32),
            pltpu.VMEM_SHARED((N_TARGETS,), jnp.float32),
            pltpu.SemaphoreType.DMA,
            pltpu.SemaphoreType.DMA((NBUF,)),
        ],
    )
    partials = sc(vals, log_weight, log_alpha, rows, cols)
    return _sum_partials(partials)

# --- scband reference (transcript-rebuilt; emitter-appended) ---
"""Pipeline reference for scband-sparse-calibration-weights-86071144612199 (READ-ONLY COPY).

The authoritative reference and input builder live on the scoring server;
editing this copy changes nothing except your own understanding.
"""

import jax, jax.numpy as jnp
import numpy as np

BETA = 2.0 / 3.0
GAMMA = -0.1
ZETA = 1.1
INIT_KEEP_PROB = 0.5
INIT_WEIGHT_SCALE = 1.0
N_FEATURES = 65536
N_TARGETS = 4096
NNZ = 2621440


def setup_inputs(seed: int = 0) -> dict:
    key = jax.random.key(seed)
    k1, k2, k3, k4, k5 = jax.random.split(key, 5)
    rows = jax.random.randint(k1, (NNZ,), 0, N_TARGETS, dtype=jnp.int64 if jax.config.jax_enable_x64 else jnp.int32)
    cols = jax.random.randint(k2, (NNZ,), 0, N_FEATURES, dtype=jnp.int64 if jax.config.jax_enable_x64 else jnp.int32)
    vals = jax.random.normal(k3, (NNZ,), dtype=jnp.float32)
    # learned parameters sized per init_kwargs
    log_weight = INIT_WEIGHT_SCALE * jax.random.normal(k4, (N_FEATURES,), dtype=jnp.float32)
    mu = float(np.log(INIT_KEEP_PROB / (1.0 - INIT_KEEP_PROB)))  # = 0.0 for keep_prob 0.5
    log_alpha = mu + 0.01 * jax.random.normal(k5, (N_FEATURES,), dtype=jnp.float32)
    return {"vals": vals, "log_weight": log_weight, "log_alpha": log_alpha, "rows": rows, "cols": cols}


def reference(vals, log_weight, log_alpha, rows, cols):
    # deterministic=True path of SparseCalibrationWeights.forward
    # get_deterministic_gates
    s = jax.nn.sigmoid(log_alpha / BETA)
    s_bar = s * (ZETA - GAMMA) + GAMMA
    gates = jnp.clip(s_bar, 0.0, 1.0)
    # get_weights: positive weights * gates
    weights = jnp.exp(log_weight) * gates
    # torch.sparse.mm(M, weights) with M in COO form:
    # y[r] = sum over nnz with row==r of vals * weights[col]
    contrib = vals * jnp.take(weights, cols, axis=0)
    y = jax.ops.segment_sum(contrib, rows, num_segments=N_TARGETS)
    return y

if __name__ == "__main__":
    import jax
    _d = setup_inputs()
    print(jax.jit(kernel)(*tuple(_d.values())))

</pallas_src>

<mosaic_0001>
#map = affine_map<(d0, d1) -> (0)>
#map1 = affine_map<(d0, d1) -> (0, 0)>
module attributes {stable_mosaic.version = 14 : i64} {
  func.func @_sc_body(%arg0: i32, %arg1: i32, %arg2: memref<2621440xf32, #tpu.memory_space<hbm>>, %arg3: memref<65536xf32, #tpu.memory_space<hbm>>, %arg4: memref<65536xf32, #tpu.memory_space<hbm>>, %arg5: memref<2621440xi32, #tpu.memory_space<hbm>>, %arg6: memref<2621440xi32, #tpu.memory_space<hbm>>, %arg7: memref<2x4096xf32, #tpu.memory_space<hbm>>, %arg8: memref<65536xf32, #tpu.memory_space<vmem>>, %arg9: memref<4096xf32, #tpu.memory_space<vmem>>, %arg10: memref<4096xf32, #tpu.memory_space<vmem>>, %arg11: memref<4096xi32, #tpu.memory_space<vmem>>, %arg12: memref<4096xi32, #tpu.memory_space<vmem>>, %arg13: memref<4096xi32, #tpu.memory_space<vmem>>, %arg14: memref<4096xi32, #tpu.memory_space<vmem>>, %arg15: memref<4096xi32, #tpu.memory_space<vmem>>, %arg16: memref<4096xi32, #tpu.memory_space<vmem>>, %arg17: memref<4096xi32, #tpu.memory_space<vmem>>, %arg18: memref<4096xi32, #tpu.memory_space<vmem>>, %arg19: memref<4096xf32, #tpu.memory_space<vmem>>, %arg20: memref<4096xf32, #tpu.memory_space<vmem>>, %arg21: memref<4096xf32, #tpu.memory_space<vmem>>, %arg22: memref<4096xf32, #tpu.memory_space<vmem>>, %arg23: memref<65536xf32, #tpu.memory_space<vmem_shared>>, %arg24: memref<4096xf32, #tpu.memory_space<vmem_shared>>, %arg25: memref<!tpu.dma_semaphore, #tpu.memory_space<semaphore_mem>>, %arg26: memref<4x!tpu.dma_semaphore, #tpu.memory_space<semaphore_mem>>) attributes {dimension_semantics = [#tpu.dimension_semantics<core_parallel>, #tpu.dimension_semantics<subcore_parallel>], iteration_bounds = array<i64: 2, 16>, scalar_prefetch = 0 : i64, scratch_operands = 19 : i64, tpu.core_type = #tpu.core_type<sc_vector_subcore>, window_params = [{transform_indices = #map}, {transform_indices = #map}, {transform_indices = #map}, {transform_indices = #map}, {transform_indices = #map}, {transform_indices = #map1}]} {
    %mul3A = arith.constant 16 : i32
    %mul3A_0 = arith.muli %arg0, %mul3A : i32
    %add3A = arith.addi %mul3A_0, %arg1 : i32
    %mul3A_1 = arith.constant 81920 : i32
    %mul3A_2 = arith.muli %add3A, %mul3A_1 : i32
    %mul3A_3 = arith.constant 256 : i32
    %mul3A_4 = arith.muli %arg1, %mul3A_3 : i32
    %add3A_5 = arith.constant 0 : i32
    %add3A_6 = arith.addi %mul3A_2, %add3A_5 : i32
    %dma_start3A = arith.constant 0 : i32
    %dma_start3A_7 = tpu.memref_slice %arg5[%add3A_6] : memref<2621440xi32, #tpu.memory_space<hbm>> -> memref<4096xi32, #tpu.memory_space<hbm>>
    %dma_start3A_8 = tpu.memref_slice %arg26[%dma_start3A] : memref<4x!tpu.dma_semaphore, #tpu.memory_space<semaphore_mem>> -> memref<1x!tpu.dma_semaphore, #tpu.memory_space<semaphore_mem>>
    %dma_start3A_9 = tpu.memref_squeeze %dma_start3A_8 : memref<1x!tpu.dma_semaphore, #tpu.memory_space<semaphore_mem>> -> memref<!tpu.dma_semaphore, #tpu.memory_space<semaphore_mem>>
    %dma_start3A_10 = tpu.memref_slice %arg5[%add3A_6] : memref<2621440xi32, #tpu.memory_space<hbm>> -> memref<4096xi32, #tpu.memory_space<hbm>>
    tpu.enqueue_dma source(%dma_start3A_10 : memref<4096xi32, #tpu.memory_space<hbm>>) target(%arg11 : memref<4096xi32, #tpu.memory_space<vmem>>) target_semaphore(%dma_start3A_9 : memref<!tpu.dma_semaphore, #tpu.memory_space<semaphore_mem>>)
    %dma_start3A_11 = arith.constant 0 : i32
    %dma_start3A_12 = tpu.memref_slice %arg6[%add3A_6] : memref<2621440xi32, #tpu.memory_space<hbm>> -> memref<4096xi32, #tpu.memory_space<hbm>>
    %dma_start3A_13 = tpu.memref_slice %arg26[%dma_start3A_11] : memref<4x!tpu.dma_semaphore, #tpu.memory_space<semaphore_mem>> -> memref<1x!tpu.dma_semaphore, #tpu.memory_space<semaphore_mem>>
    %dma_start3A_14 = tpu.memref_squeeze %dma_start3A_13 : memref<1x!tpu.dma_semaphore, #tpu.memory_space<semaphore_mem>> -> memref<!tpu.dma_semaphore, #tpu.memory_space<semaphore_mem>>
    %dma_start3A_15 = tpu.memref_slice %arg6[%add3A_6] : memref<2621440xi32, #tpu.memory_space<hbm>> -> memref<4096xi32, #tpu.memory_space<hbm>>
    tpu.enqueue_dma source(%dma_start3A_15 : memref<4096xi32, #tpu.memory_space<hbm>>) target(%arg15 : memref<4096xi32, #tpu.memory_space<vmem>>) target_semaphore(%dma_start3A_14 : memref<!tpu.dma_semaphore, #tpu.memory_space<semaphore_mem>>)
    %dma_start3A_16 = arith.constant 0 : i32
    %dma_start3A_17 = tpu.memref_slice %arg2[%add3A_6] : memref<2621440xf32, #tpu.memory_space<hbm>> -> memref<4096xf32, #tpu.memory_space<hbm>>
    %dma_start3A_18 = tpu.memref_slice %arg26[%dma_start3A_16] : memref<4x!tpu.dma_semaphore, #tpu.memory_space<semaphore_mem>> -> memref<1x!tpu.dma_semaphore, #tpu.memory_space<semaphore_mem>>
    %dma_start3A_19 = tpu.memref_squeeze %dma_start3A_18 : memref<1x!tpu.dma_semaphore, #tpu.memory_space<semaphore_mem>> -> memref<!tpu.dma_semaphore, #tpu.memory_space<semaphore_mem>>
    %dma_start3A_20 = tpu.memref_slice %arg2[%add3A_6] : memref<2621440xf32, #tpu.memory_space<hbm>> -> memref<4096xf32, #tpu.memory_space<hbm>>
    tpu.enqueue_dma source(%dma_start3A_20 : memref<4096xf32, #tpu.memory_space<hbm>>) target(%arg19 : memref<4096xf32, #tpu.memory_space<vmem>>) target_semaphore(%dma_start3A_19 : memref<!tpu.dma_semaphore, #tpu.memory_space<semaphore_mem>>)
    %add3A_21 = arith.constant 4096 : i32
    %add3A_22 = arith.addi %mul3A_2, %add3A_21 : i32
    %dma_start3A_23 = arith.constant 1 : i32
    %dma_start3A_24 = tpu.memref_slice %arg5[%add3A_22] : memref<2621440xi32, #tpu.memory_space<hbm>> -> memref<4096xi32, #tpu.memory_space<hbm>>
    %dma_start3A_25 = tpu.memref_slice %arg26[%dma_start3A_23] : memref<4x!tpu.dma_semaphore, #tpu.memory_space<semaphore_mem>> -> memref<1x!tpu.dma_semaphore, #tpu.memory_space<semaphore_mem>>
    %dma_start3A_26 = tpu.memref_squeeze %dma_start3A_25 : memref<1x!tpu.dma_semaphore, #tpu.memory_space<semaphore_mem>> -> memref<!tpu.dma_semaphore, #tpu.memory_space<semaphore_mem>>
    %dma_start3A_27 = tpu.memref_slice %arg5[%add3A_22] : memref<2621440xi32, #tpu.memory_space<hbm>> -> memref<4096xi32, #tpu.memory_space<hbm>>
    tpu.enqueue_dma source(%dma_start3A_27 : memref<4096xi32, #tpu.memory_space<hbm>>) target(%arg12 : memref<4096xi32, #tpu.memory_space<vmem>>) target_semaphore(%dma_start3A_26 : memref<!tpu.dma_semaphore, #tpu.memory_space<semaphore_mem>>)
    %dma_start3A_28 = arith.constant 1 : i32
    %dma_start3A_29 = tpu.memref_slice %arg6[%add3A_22] : memref<2621440xi32, #tpu.memory_space<hbm>> -> memref<4096xi32, #tpu.memory_space<hbm>>
    %dma_start3A_30 = tpu.memref_slice %arg26[%dma_start3A_28] : memref<4x!tpu.dma_semaphore, #tpu.memory_space<semaphore_mem>> -> memref<1x!tpu.dma_semaphore, #tpu.memory_space<semaphore_mem>>
    %dma_start3A_31 = tpu.memref_squeeze %dma_start3A_30 : memref<1x!tpu.dma_semaphore, #tpu.memory_space<semaphore_mem>> -> memref<!tpu.dma_semaphore, #tpu.memory_space<semaphore_mem>>
    %dma_start3A_32 = tpu.memref_slice %arg6[%add3A_22] : memref<2621440xi32, #tpu.memory_space<hbm>> -> memref<4096xi32, #tpu.memory_space<hbm>>
    tpu.enqueue_dma source(%dma_start3A_32 : memref<4096xi32, #tpu.memory_space<hbm>>) target(%arg16 : memref<4096xi32, #tpu.memory_space<vmem>>) target_semaphore(%dma_start3A_31 : memref<!tpu.dma_semaphore, #tpu.memory_space<semaphore_mem>>)
    %dma_start3A_33 = arith.constant 1 : i32
    %dma_start3A_34 = tpu.memref_slice %arg2[%add3A_22] : memref<2621440xf32, #tpu.memory_space<hbm>> -> memref<4096xf32, #tpu.memory_space<hbm>>
    %dma_start3A_35 = tpu.memref_slice %arg26[%dma_start3A_33] : memref<4x!tpu.dma_semaphore, #tpu.memory_space<semaphore_mem>> -> memref<1x!tpu.dma_semaphore, #tpu.memory_space<semaphore_mem>>
    %dma_start3A_36 = tpu.memref_squeeze %dma_start3A_35 : memref<1x!tpu.dma_semaphore, #tpu.memory_space<semaphore_mem>> -> memref<!tpu.dma_semaphore, #tpu.memory_space<semaphore_mem>>
    %dma_start3A_37 = tpu.memref_slice %arg2[%add3A_22] : memref<2621440xf32, #tpu.memory_space<hbm>> -> memref<4096xf32, #tpu.memory_space<hbm>>
    tpu.enqueue_dma source(%dma_start3A_37 : memref<4096xf32, #tpu.memory_space<hbm>>) target(%arg20 : memref<4096xf32, #tpu.memory_space<vmem>>) target_semaphore(%dma_start3A_36 : memref<!tpu.dma_semaphore, #tpu.memory_space<semaphore_mem>>)
    %add3A_38 = arith.constant 8192 : i32
    %add3A_39 = arith.addi %mul3A_2, %add3A_38 : i32
    %dma_start3A_40 = arith.constant 2 : i32
    %dma_start3A_41 = tpu.memref_slice %arg5[%add3A_39] : memref<2621440xi32, #tpu.memory_space<hbm>> -> memref<4096xi32, #tpu.memory_space<hbm>>
    %dma_start3A_42 = tpu.memref_slice %arg26[%dma_start3A_40] : memref<4x!tpu.dma_semaphore, #tpu.memory_space<semaphore_mem>> -> memref<1x!tpu.dma_semaphore, #tpu.memory_space<semaphore_mem>>
    %dma_start3A_43 = tpu.memref_squeeze %dma_start3A_42 : memref<1x!tpu.dma_semaphore, #tpu.memory_space<semaphore_mem>> -> memref<!tpu.dma_semaphore, #tpu.memory_space<semaphore_mem>>
    %dma_start3A_44 = tpu.memref_slice %arg5[%add3A_39] : memref<2621440xi32, #tpu.memory_space<hbm>> -> memref<4096xi32, #tpu.memory_space<hbm>>
    tpu.enqueue_dma source(%dma_start3A_44 : memref<4096xi32, #tpu.memory_space<hbm>>) target(%arg13 : memref<4096xi32, #tpu.memory_space<vmem>>) target_semaphore(%dma_start3A_43 : memref<!tpu.dma_semaphore, #tpu.memory_space<semaphore_mem>>)
    %dma_start3A_45 = arith.constant 2 : i32
    %dma_start3A_46 = tpu.memref_slice %arg6[%add3A_39] : memref<2621440xi32, #tpu.memory_space<hbm>> -> memref<4096xi32, #tpu.memory_space<hbm>>
    %dma_start3A_47 = tpu.memref_slice %arg26[%dma_start3A_45] : memref<4x!tpu.dma_semaphore, #tpu.memory_space<semaphore_mem>> -> memref<1x!tpu.dma_semaphore, #tpu.memory_space<semaphore_mem>>
    %dma_start3A_48 = tpu.memref_squeeze %dma_start3A_47 : memref<1x!tpu.dma_semaphore, #tpu.memory_space<semaphore_mem>> -> memref<!tpu.dma_semaphore, #tpu.memory_space<semaphore_mem>>
    %dma_start3A_49 = tpu.memref_slice %arg6[%add3A_39] : memref<2621440xi32, #tpu.memory_space<hbm>> -> memref<4096xi32, #tpu.memory_space<hbm>>
    tpu.enqueue_dma source(%dma_start3A_49 : memref<4096xi32, #tpu.memory_space<hbm>>) target(%arg17 : memref<4096xi32, #tpu.memory_space<vmem>>) target_semaphore(%dma_start3A_48 : memref<!tpu.dma_semaphore, #tpu.memory_space<semaphore_mem>>)
    %dma_start3A_50 = arith.constant 2 : i32
    %dma_start3A_51 = tpu.memref_slice %arg2[%add3A_39] : memref<2621440xf32, #tpu.memory_space<hbm>> -> memref<4096xf32, #tpu.memory_space<hbm>>
    %dma_start3A_52 = tpu.memref_slice %arg26[%dma_start3A_50] : memref<4x!tpu.dma_semaphore, #tpu.memory_space<semaphore_mem>> -> memref<1x!tpu.dma_semaphore, #tpu.memory_space<semaphore_mem>>
    %dma_start3A_53 = tpu.memref_squeeze %dma_start3A_52 : memref<1x!tpu.dma_semaphore, #tpu.memory_space<semaphore_mem>> -> memref<!tpu.dma_semaphore, #tpu.memory_space<semaphore_mem>>
    %dma_start3A_54 = tpu.memref_slice %arg2[%add3A_39] : memref<2621440xf32, #tpu.memory_space<hbm>> -> memref<4096xf32, #tpu.memory_space<hbm>>
    tpu.enqueue_dma source(%dma_start3A_54 : memref<4096xf32, #tpu.memory_space<hbm>>) target(%arg21 : memref<4096xf32, #tpu.memory_space<vmem>>) target_semaphore(%dma_start3A_53 : memref<!tpu.dma_semaphore, #tpu.memory_space<semaphore_mem>>)
    %mul3A_55 = arith.constant 4096 : i32
    %mul3A_56 = arith.muli %arg1, %mul3A_55 : i32
    %dma_start3A_57 = tpu.memref_slice %arg3[%mul3A_56] : memref<65536xf32, #tpu.memory_space<hbm>> -> memref<4096xf32, #tpu.memory_space<hbm>>
    %dma_start3A_58 = tpu.memref_slice %arg3[%mul3A_56] : memref<65536xf32, #tpu.memory_space<hbm>> -> memref<4096xf32, #tpu.memory_space<hbm>>
    tpu.enqueue_dma source(%dma_start3A_58 : memref<4096xf32, #tpu.memory_space<hbm>>) target(%arg10 : memref<4096xf32, #tpu.memory_space<vmem>>) target_semaphore(%arg25 : memref<!tpu.dma_semaphore, #tpu.memory_space<semaphore_mem>>)
    %dma_wait3A = tpu.memref_slice %arg3[%mul3A_56] : memref<65536xf32, #tpu.memory_space<hbm>> -> memref<4096xf32, #tpu.memory_space<hbm>>
    %dma_wait3A_59 = tpu.memref_slice %arg3[%mul3A_56] : memref<65536xf32, #tpu.memory_space<hbm>> -> memref<4096xf32, #tpu.memory_space<hbm>>
    tpu.wait_dma2 semaphore(%arg25 : memref<!tpu.dma_semaphore, #tpu.memory_space<semaphore_mem>>) src(%dma_wait3A_59 : memref<4096xf32, #tpu.memory_space<hbm>>) dst(%arg10 : memref<4096xf32, #tpu.memory_space<vmem>>)
    %dma_start3A_60 = tpu.memref_slice %arg4[%mul3A_56] : memref<65536xf32, #tpu.memory_space<hbm>> -> memref<4096xf32, #tpu.memory_space<hbm>>
    %dma_start3A_61 = tpu.memref_slice %arg4[%mul3A_56] : memref<65536xf32, #tpu.memory_space<hbm>> -> memref<4096xf32, #tpu.memory_space<hbm>>
    tpu.enqueue_dma source(%dma_start3A_61 : memref<4096xf32, #tpu.memory_space<hbm>>) target(%arg22 : memref<4096xf32, #tpu.memory_space<vmem>>) target_semaphore(%arg25 : memref<!tpu.dma_semaphore, #tpu.memory_space<semaphore_mem>>)
    %dma_wait3A_62 = tpu.memref_slice %arg4[%mul3A_56] : memref<65536xf32, #tpu.memory_space<hbm>> -> memref<4096xf32, #tpu.memory_space<hbm>>
    %dma_wait3A_63 = tpu.memref_slice %arg4[%mul3A_56] : memref<65536xf32, #tpu.memory_space<hbm>> -> memref<4096xf32, #tpu.memory_space<hbm>>
    tpu.wait_dma2 semaphore(%arg25 : memref<!tpu.dma_semaphore, #tpu.memory_space<semaphore_mem>>) src(%dma_wait3A_63 : memref<4096xf32, #tpu.memory_space<hbm>>) dst(%arg22 : memref<4096xf32, #tpu.memory_space<vmem>>)
    %scan3A = arith.constant 0 : i32
    %scan3A_64 = arith.constant 0 : i32
    %scan3A_65 = arith.constant 256 : i32
    %scan3A_66 = arith.addi %scan3A_64, %scan3A_65 : i32
    %scan3A_67 = arith.constant 1 : i32
    scf.for %scan3A_97 = %scan3A_64 to %scan3A_66 step %scan3A_67  : i32 {
      %mul3A_98 = arith.constant 16 : i32
      %mul3A_99 = arith.muli %scan3A_97, %mul3A_98 : i32
      %get3A = arith.index_cast %mul3A_99 : i32 to index
      %get3A_100 = tpu.vector_load %arg22[%get3A] {strides = array<i32>} : memref<4096xf32, #tpu.memory_space<vmem>>, vector<16xf32>,
      %mul3A_101 = arith.constant -1.500000e+00 : f32
      %mul3A_102 = vector.broadcast %mul3A_101 : f32 to vector<16xf32>
      %mul3A_103 = arith.mulf %get3A_100, %mul3A_102 : vector<16xf32>
      %exp3A = math.exp %mul3A_103 : vector<16xf32>
      %add3A_104 = arith.constant 1.000000e+00 : f32
      %add3A_105 = vector.broadcast %add3A_104 : f32 to vector<16xf32>
      %add3A_106 = arith.addf %add3A_105, %exp3A : vector<16xf32>
      %div3A = arith.constant 1.000000e+00 : f32
      %div3A_107 = vector.broadcast %div3A : f32 to vector<16xf32>
      %div3A_108 = arith.divf %div3A_107, %add3A_106 : vector<16xf32>
      %mul3A_109 = arith.constant 1.200000e+00 : f32
      %mul3A_110 = vector.broadcast %mul3A_109 : f32 to vector<16xf32>
      %mul3A_111 = arith.mulf %div3A_108, %mul3A_110 : vector<16xf32>
      %add3A_112 = arith.constant -1.000000e-01 : f32
      %add3A_113 = vector.broadcast %add3A_112 : f32 to vector<16xf32>
      %add3A_114 = arith.addf %mul3A_111, %add3A_113 : vector<16xf32>
      %jit3A = arith.constant 0.000000e+00 : f32
      %jit3A_115 = arith.constant 1.000000e+00 : f32
      %max3A = vector.broadcast %jit3A : f32 to vector<16xf32>
      %max3A_116 = arith.maximumf %max3A, %add3A_114 : vector<16xf32>
      %min3A = vector.broadcast %jit3A_115 : f32 to vector<16xf32>
      %min3A_117 = arith.minimumf %min3A, %max3A_116 : vector<16xf32>
      %get3A_118 = arith.index_cast %mul3A_99 : i32 to index
      %get3A_119 = tpu.vector_load %arg10[%get3A_118] {strides = array<i32>} : memref<4096xf32, #tpu.memory_space<vmem>>, vector<16xf32>,
      %exp3A_120 = math.exp %get3A_119 : vector<16xf32>
      %mul3A_121 = arith.mulf %exp3A_120, %min3A_117 : vector<16xf32>
      %swap3A = arith.index_cast %mul3A_99 : i32 to index
      %swap3A_122 = tpu.vector_load %arg9[%swap3A] {strides = array<i32>} : memref<4096xf32, #tpu.memory_space<vmem>>, vector<16xf32>,
      tpu.vector_store %arg9[%swap3A], %mul3A_121 {strides = array<i32>} : memref<4096xf32, #tpu.memory_space<vmem>>, vector<16xf32>,
    }
    %scan3A_68 = arith.constant 256 : i32
    "tpu.region"() ({
      %run_scoped3A = tpu.sem_alloc : memref<!tpu.dma_semaphore, #tpu.memory_space<semaphore_mem>>
      %dma_start3A_97 = tpu.memref_slice %arg23[%mul3A_56] : memref<65536xf32, #tpu.memory_space<vmem_shared>> -> memref<4096xf32, #tpu.memory_space<vmem_shared>>
      %dma_start3A_98 = tpu.memref_slice %arg23[%mul3A_56] : memref<65536xf32, #tpu.memory_space<vmem_shared>> -> memref<4096xf32, #tpu.memory_space<vmem_shared>>
      tpu.enqueue_dma source(%arg9 : memref<4096xf32, #tpu.memory_space<vmem>>) target(%dma_start3A_98 : memref<4096xf32, #tpu.memory_space<vmem_shared>>) target_semaphore(%run_scoped3A : memref<!tpu.dma_semaphore, #tpu.memory_space<semaphore_mem>>)
      %dma_wait3A_99 = tpu.memref_slice %arg23[%mul3A_56] : memref<65536xf32, #tpu.memory_space<vmem_shared>> -> memref<4096xf32, #tpu.memory_space<vmem_shared>>
      %dma_wait3A_100 = tpu.memref_slice %arg23[%mul3A_56] : memref<65536xf32, #tpu.memory_space<vmem_shared>> -> memref<4096xf32, #tpu.memory_space<vmem_shared>>
      tpu.wait_dma2 semaphore(%run_scoped3A : memref<!tpu.dma_semaphore, #tpu.memory_space<semaphore_mem>>) src(%arg9 : memref<4096xf32, #tpu.memory_space<vmem>>) dst(%dma_wait3A_100 : memref<4096xf32, #tpu.memory_space<vmem_shared>>)
      tpu.yield
    }) : () -> ()
    %barrier3A = arith.constant 0 : index
    tpu.barrier barrier_id(%barrier3A)
    tpu.enqueue_dma source(%arg23 : memref<65536xf32, #tpu.memory_space<vmem_shared>>) target(%arg8 : memref<65536xf32, #tpu.memory_space<vmem>>) target_semaphore(%arg25 : memref<!tpu.dma_semaphore, #tpu.memory_space<semaphore_mem>>)
    %scan3A_69 = arith.constant 0 : i32
    %scan3A_70 = arith.constant 0 : i32
    %scan3A_71 = arith.constant 256 : i32
    %scan3A_72 = arith.addi %scan3A_70, %scan3A_71 : i32
    %scan3A_73 = arith.constant 1 : i32
    scf.for %scan3A_97 = %scan3A_70 to %scan3A_72 step %scan3A_73  : i32 {
      %broadcast_in_dim3A = arith.constant 0.000000e+00 : f32
      %broadcast_in_dim3A_98 = vector.broadcast %broadcast_in_dim3A : f32 to vector<16xf32>
      %mul3A_99 = arith.constant 16 : i32
      %mul3A_100 = arith.muli %scan3A_97, %mul3A_99 : i32
      %swap3A = arith.index_cast %mul3A_100 : i32 to index
      %swap3A_101 = tpu.vector_load %arg9[%swap3A] {strides = array<i32>} : memref<4096xf32, #tpu.memory_space<vmem>>, vector<16xf32>,
      tpu.vector_store %arg9[%swap3A], %broadcast_in_dim3A_98 {strides = array<i32>} : memref<4096xf32, #tpu.memory_space<vmem>>, vector<16xf32>,
    }
    %scan3A_74 = arith.constant 256 : i32
    %eq3A = arith.constant 0 : i32
    %eq3A_75 = arith.cmpi eq, %arg1, %eq3A : i32
    %convert_element_type3A = arith.extui %eq3A_75 : i1 to i32
    %cond3A = arith.constant 0 : i32
    %cond3A_76 = arith.cmpi ne, %convert_element_type3A, %cond3A : i32
    scf.if %cond3A_76 {
      "tpu.region"() ({
        %run_scoped3A = tpu.sem_alloc : memref<!tpu.dma_semaphore, #tpu.memory_space<semaphore_mem>>
        tpu.enqueue_dma source(%arg9 : memref<4096xf32, #tpu.memory_space<vmem>>) target(%arg24 : memref<4096xf32, #tpu.memory_space<vmem_shared>>) target_semaphore(%run_scoped3A : memref<!tpu.dma_semaphore, #tpu.memory_space<semaphore_mem>>)
        tpu.wait_dma2 semaphore(%run_scoped3A : memref<!tpu.dma_semaphore, #tpu.memory_space<semaphore_mem>>) src(%arg9 : memref<4096xf32, #tpu.memory_space<vmem>>) dst(%arg24 : memref<4096xf32, #tpu.memory_space<vmem_shared>>)
        tpu.yield
      }) : () -> ()
    } else {
    }
    tpu.wait_dma2 semaphore(%arg25 : memref<!tpu.dma_semaphore, #tpu.memory_space<semaphore_mem>>) src(%arg23 : memref<65536xf32, #tpu.memory_space<vmem_shared>>) dst(%arg8 : memref<65536xf32, #tpu.memory_space<vmem>>)
    %sub3A = arith.constant 4096 : i32
    %sub3A_77 = arith.subi %sub3A, %mul3A_4 : i32
    %scan3A_78 = arith.constant 0 : i32
    %scan3A_79 = arith.constant 0 : i32
    %scan3A_80 = arith.constant 5 : i32
    %scan3A_81 = arith.addi %scan3A_79, %scan3A_80 : i32
    %scan3A_82 = arith.constant 1 : i32
    scf.for %scan3A_97 = %scan3A_79 to %scan3A_81 step %scan3A_82  : i32 {
      %mul3A_98 = arith.constant 4 : i32
      %mul3A_99 = arith.muli %scan3A_97, %mul3A_98 : i32
      %add3A_100 = arith.constant 0 : i32
      %add3A_101 = arith.addi %mul3A_99, %add3A_100 : i32
      %dma_wait3A_102 = arith.constant 0 : i32
      %dma_wait3A_103 = arith.constant 0 : i32
      %dma_wait3A_104 = tpu.memref_slice %arg5[%dma_wait3A_103] : memref<2621440xi32, #tpu.memory_space<hbm>> -> memref<4096xi32, #tpu.memory_space<hbm>>
      %dma_wait3A_105 = tpu.memref_slice %arg26[%dma_wait3A_102] : memref<4x!tpu.dma_semaphore, #tpu.memory_space<semaphore_mem>> -> memref<1x!tpu.dma_semaphore, #tpu.memory_space<semaphore_mem>>
      %dma_wait3A_106 = tpu.memref_squeeze %dma_wait3A_105 : memref<1x!tpu.dma_semaphore, #tpu.memory_space<semaphore_mem>> -> memref<!tpu.dma_semaphore, #tpu.memory_space<semaphore_mem>>
      %dma_wait3A_107 = arith.constant 0 : i32
      %dma_wait3A_108 = tpu.memref_slice %arg5[%dma_wait3A_107] : memref<2621440xi32, #tpu.memory_space<hbm>> -> memref<4096xi32, #tpu.memory_space<hbm>>
      tpu.wait_dma2 semaphore(%dma_wait3A_106 : memref<!tpu.dma_semaphore, #tpu.memory_space<semaphore_mem>>) src(%dma_wait3A_108 : memref<4096xi32, #tpu.memory_space<hbm>>) dst(%arg11 : memref<4096xi32, #tpu.memory_space<vmem>>)
      %dma_wait3A_109 = arith.constant 0 : i32
      %dma_wait3A_110 = arith.constant 0 : i32
      %dma_wait3A_111 = tpu.memref_slice %arg6[%dma_wait3A_110] : memref<2621440xi32, #tpu.memory_space<hbm>> -> memref<4096xi32, #tpu.memory_space<hbm>>
      %dma_wait3A_112 = tpu.memref_slice %arg26[%dma_wait3A_109] : memref<4x!tpu.dma_semaphore, #tpu.memory_space<semaphore_mem>> -> memref<1x!tpu.dma_semaphore, #tpu.memory_space<semaphore_mem>>
      %dma_wait3A_113 = tpu.memref_squeeze %dma_wait3A_112 : memref<1x!tpu.dma_semaphore, #tpu.memory_space<semaphore_mem>> -> memref<!tpu.dma_semaphore, #tpu.memory_space<semaphore_mem>>
      %dma_wait3A_114 = arith.constant 0 : i32
      %dma_wait3A_115 = tpu.memref_slice %arg6[%dma_wait3A_114] : memref<2621440xi32, #tpu.memory_space<hbm>> -> memref<4096xi32, #tpu.memory_space<hbm>>
      tpu.wait_dma2 semaphore(%dma_wait3A_113 : memref<!tpu.dma_semaphore, #tpu.memory_space<semaphore_mem>>) src(%dma_wait3A_115 : memref<4096xi32, #tpu.memory_space<hbm>>) dst(%arg15 : memref<4096xi32, #tpu.memory_space<vmem>>)
      %dma_wait3A_116 = arith.constant 0 : i32
      %dma_wait3A_117 = arith.constant 0 : i32
      %dma_wait3A_118 = tpu.memref_slice %arg2[%dma_wait3A_117] : memref<2621440xf32, #tpu.memory_space<hbm>> -> memref<4096xf32, #tpu.memory_space<hbm>>
      %dma_wait3A_119 = tpu.memref_slice %arg26[%dma_wait3A_116] : memref<4x!tpu.dma_semaphore, #tpu.memory_space<semaphore_mem>> -> memref<1x!tpu.dma_semaphore, #tpu.memory_space<semaphore_mem>>
      %dma_wait3A_120 = tpu.memref_squeeze %dma_wait3A_119 : memref<1x!tpu.dma_semaphore, #tpu.memory_space<semaphore_mem>> -> memref<!tpu.dma_semaphore, #tpu.memory_space<semaphore_mem>>
      %dma_wait3A_121 = arith.constant 0 : i32
      %dma_wait3A_122 = tpu.memref_slice %arg2[%dma_wait3A_121] : memref<2621440xf32, #tpu.memory_space<hbm>> -> memref<4096xf32, #tpu.memory_space<hbm>>
      tpu.wait_dma2 semaphore(%dma_wait3A_120 : memref<!tpu.dma_semaphore, #tpu.memory_space<semaphore_mem>>) src(%dma_wait3A_122 : memref<4096xf32, #tpu.memory_space<hbm>>) dst(%arg19 : memref<4096xf32, #tpu.memory_space<vmem>>)
      %parallel_loop3A = arith.constant 0 : i32
      %parallel_loop3A_123 = arith.constant 256 : i32
      %parallel_loop3A_124 = arith.constant 1 : i32
      scf.for %parallel_loop3A_236 = %parallel_loop3A to %parallel_loop3A_123 step %parallel_loop3A_124  : i32 {
        %parallel_loop3A_237 = arith.constant 16 : i32
        %parallel_loop3A_238 = arith.muli %parallel_loop3A_236, %parallel_loop3A_237 : i32
        %parallel_loop3A_239 = arith.index_cast %parallel_loop3A_238 : i32 to index
        %parallel_loop3A_240 = tpu.vector_load %arg15[%parallel_loop3A_239] {strides = array<i32>} : memref<4096xi32, #tpu.memory_space<vmem>>, vector<16xi32>,
        %parallel_loop3A_241 = tpu.vector_load_idx %arg8[%parallel_loop3A_240] : memref<65536xf32, #tpu.memory_space<vmem>>[vector<16xi32>], vector<16xf32>,
        %parallel_loop3A_242 = arith.index_cast %parallel_loop3A_238 : i32 to index
        %parallel_loop3A_243 = tpu.vector_load %arg11[%parallel_loop3A_242] {strides = array<i32>} : memref<4096xi32, #tpu.memory_space<vmem>>, vector<16xi32>,
        %parallel_loop3A_244 = vector.broadcast %sub3A_77 : i32 to vector<16xi32>
        %parallel_loop3A_245 = arith.addi %parallel_loop3A_243, %parallel_loop3A_244 : vector<16xi32>
        %parallel_loop3A_246 = arith.constant 4095 : i32
        %parallel_loop3A_247 = vector.broadcast %parallel_loop3A_246 : i32 to vector<16xi32>
        %parallel_loop3A_248 = arith.andi %parallel_loop3A_245, %parallel_loop3A_247 : vector<16xi32>
        %parallel_loop3A_249 = arith.index_cast %parallel_loop3A_238 : i32 to index
        %parallel_loop3A_250 = tpu.vector_load %arg19[%parallel_loop3A_249] {strides = array<i32>} : memref<4096xf32, #tpu.memory_space<vmem>>, vector<16xf32>,
        %parallel_loop3A_251 = arith.mulf %parallel_loop3A_250, %parallel_loop3A_241 : vector<16xf32>
        tpu.vector_store_idx %arg9[%parallel_loop3A_248], %parallel_loop3A_251 {add = true} : memref<4096xf32, #tpu.memory_space<vmem>>[vector<16xi32>], vector<16xf32>,
      } {sc.loop_unroll_factor = 16 : i64, sc.parallel_access}
      %add3A_125 = arith.constant 3 : i32
      %add3A_126 = arith.addi %add3A_101, %add3A_125 : i32
      %lt3A = arith.constant 20 : i32
      %lt3A_127 = arith.cmpi slt, %add3A_126, %lt3A : i32
      %convert_element_type3A_128 = arith.extui %lt3A_127 : i1 to i32
      %cond3A_129 = arith.constant 0 : i32
      %cond3A_130 = arith.cmpi ne, %convert_element_type3A_128, %cond3A_129 : i32
      scf.if %cond3A_130 {
        %mul3A_236 = arith.constant 4096 : i32
        %mul3A_237 = arith.muli %add3A_126, %mul3A_236 : i32
        %add3A_238 = arith.addi %mul3A_2, %mul3A_237 : i32
        %dma_start3A_239 = arith.constant 3 : i32
        %dma_start3A_240 = tpu.memref_slice %arg5[%add3A_238] : memref<2621440xi32, #tpu.memory_space<hbm>> -> memref<4096xi32, #tpu.memory_space<hbm>>
        %dma_start3A_241 = tpu.memref_slice %arg26[%dma_start3A_239] : memref<4x!tpu.dma_semaphore, #tpu.memory_space<semaphore_mem>> -> memref<1x!tpu.dma_semaphore, #tpu.memory_space<semaphore_mem>>
        %dma_start3A_242 = tpu.memref_squeeze %dma_start3A_241 : memref<1x!tpu.dma_semaphore, #tpu.memory_space<semaphore_mem>> -> memref<!tpu.dma_semaphore, #tpu.memory_space<semaphore_mem>>
        %dma_start3A_243 = tpu.memref_slice %arg5[%add3A_238] : memref<2621440xi32, #tpu.memory_space<hbm>> -> memref<4096xi32, #tpu.memory_space<hbm>>
        tpu.enqueue_dma source(%dma_start3A_243 : memref<4096xi32, #tpu.memory_space<hbm>>) target(%arg14 : memref<4096xi32, #tpu.memory_space<vmem>>) target_semaphore(%dma_start3A_242 : memref<!tpu.dma_semaphore, #tpu.memory_space<semaphore_mem>>)
        %dma_start3A_244 = arith.constant 3 : i32
        %dma_start3A_245 = tpu.memref_slice %arg6[%add3A_238] : memref<2621440xi32, #tpu.memory_space<hbm>> -> memref<4096xi32, #tpu.memory_space<hbm>>
        %dma_start3A_246 = tpu.memref_slice %arg26[%dma_start3A_244] : memref<4x!tpu.dma_semaphore, #tpu.memory_space<semaphore_mem>> -> memref<1x!tpu.dma_semaphore, #tpu.memory_space<semaphore_mem>>
        %dma_start3A_247 = tpu.memref_squeeze %dma_start3A_246 : memref<1x!tpu.dma_semaphore, #tpu.memory_space<semaphore_mem>> -> memref<!tpu.dma_semaphore, #tpu.memory_space<semaphore_mem>>
        %dma_start3A_248 = tpu.memref_slice %arg6[%add3A_238] : memref<2621440xi32, #tpu.memory_space<hbm>> -> memref<4096xi32, #tpu.memory_space<hbm>>
        tpu.enqueue_dma source(%dma_start3A_248 : memref<4096xi32, #tpu.memory_space<hbm>>) target(%arg18 : memref<4096xi32, #tpu.memory_space<vmem>>) target_semaphore(%dma_start3A_247 : memref<!tpu.dma_semaphore, #tpu.memory_space<semaphore_mem>>)
        %dma_start3A_249 = arith.constant 3 : i32
        %dma_start3A_250 = tpu.memref_slice %arg2[%add3A_238] : memref<2621440xf32, #tpu.memory_space<hbm>> -> memref<4096xf32, #tpu.memory_space<hbm>>
        %dma_start3A_251 = tpu.memref_slice %arg26[%dma_start3A_249] : memref<4x!tpu.dma_semaphore, #tpu.memory_space<semaphore_mem>> -> memref<1x!tpu.dma_semaphore, #tpu.memory_space<semaphore_mem>>
        %dma_start3A_252 = tpu.memref_squeeze %dma_start3A_251 : memref<1x!tpu.dma_semaphore, #tpu.memory_space<semaphore_mem>> -> memref<!tpu.dma_semaphore, #tpu.memory_space<semaphore_mem>>
        %dma_start3A_253 = tpu.memref_slice %arg2[%add3A_238] : memref<2621440xf32, #tpu.memory_space<hbm>> -> memref<4096xf32, #tpu.memory_space<hbm>>
        tpu.enqueue_dma source(%dma_start3A_253 : memref<4096xf32, #tpu.memory_space<hbm>>) target(%arg22 : memref<4096xf32, #tpu.memory_space<vmem>>) target_semaphore(%dma_start3A_252 : memref<!tpu.dma_semaphore, #tpu.memory_space<semaphore_mem>>)
      } else {
      }
      %mul3A_131 = arith.constant 4 : i32
      %mul3A_132 = arith.muli %scan3A_97, %mul3A_131 : i32
      %add3A_133 = arith.constant 1 : i32
      %add3A_134 = arith.addi %mul3A_132, %add3A_133 : i32
      %dma_wait3A_135 = arith.constant 1 : i32
      %dma_wait3A_136 = arith.constant 0 : i32
      %dma_wait3A_137 = tpu.memref_slice %arg5[%dma_wait3A_136] : memref<2621440xi32, #tpu.memory_space<hbm>> -> memref<4096xi32, #tpu.memory_space<hbm>>
      %dma_wait3A_138 = tpu.memref_slice %arg26[%dma_wait3A_135] : memref<4x!tpu.dma_semaphore, #tpu.memory_space<semaphore_mem>> -> memref<1x!tpu.dma_semaphore, #tpu.memory_space<semaphore_mem>>
      %dma_wait3A_139 = tpu.memref_squeeze %dma_wait3A_138 : memref<1x!tpu.dma_semaphore, #tpu.memory_space<semaphore_mem>> -> memref<!tpu.dma_semaphore, #tpu.memory_space<semaphore_mem>>
      %dma_wait3A_140 = arith.constant 0 : i32
      %dma_wait3A_141 = tpu.memref_slice %arg5[%dma_wait3A_140] : memref<2621440xi32, #tpu.memory_space<hbm>> -> memref<4096xi32, #tpu.memory_space<hbm>>
      tpu.wait_dma2 semaphore(%dma_wait3A_139 : memref<!tpu.dma_semaphore, #tpu.memory_space<semaphore_mem>>) src(%dma_wait3A_141 : memref<4096xi32, #tpu.memory_space<hbm>>) dst(%arg12 : memref<4096xi32, #tpu.memory_space<vmem>>)
      %dma_wait3A_142 = arith.constant 1 : i32
      %dma_wait3A_143 = arith.constant 0 : i32
      %dma_wait3A_144 = tpu.memref_slice %arg6[%dma_wait3A_143] : memref<2621440xi32, #tpu.memory_space<hbm>> -> memref<4096xi32, #tpu.memory_space<hbm>>
      %dma_wait3A_145 = tpu.memref_slice %arg26[%dma_wait3A_142] : memref<4x!tpu.dma_semaphore, #tpu.memory_space<semaphore_mem>> -> memref<1x!tpu.dma_semaphore, #tpu.memory_space<semaphore_mem>>
      %dma_wait3A_146 = tpu.memref_squeeze %dma_wait3A_145 : memref<1x!tpu.dma_semaphore, #tpu.memory_space<semaphore_mem>> -> memref<!tpu.dma_semaphore, #tpu.memory_space<semaphore_mem>>
      %dma_wait3A_147 = arith.constant 0 : i32
      %dma_wait3A_148 = tpu.memref_slice %arg6[%dma_wait3A_147] : memref<2621440xi32, #tpu.memory_space<hbm>> -> memref<4096xi32, #tpu.memory_space<hbm>>
      tpu.wait_dma2 semaphore(%dma_wait3A_146 : memref<!tpu.dma_semaphore, #tpu.memory_space<semaphore_mem>>) src(%dma_wait3A_148 : memref<4096xi32, #tpu.memory_space<hbm>>) dst(%arg16 : memref<4096xi32, #tpu.memory_space<vmem>>)
      %dma_wait3A_149 = arith.constant 1 : i32
      %dma_wait3A_150 = arith.constant 0 : i32
      %dma_wait3A_151 = tpu.memref_slice %arg2[%dma_wait3A_150] : memref<2621440xf32, #tpu.memory_space<hbm>> -> memref<4096xf32, #tpu.memory_space<hbm>>
      %dma_wait3A_152 = tpu.memref_slice %arg26[%dma_wait3A_149] : memref<4x!tpu.dma_semaphore, #tpu.memory_space<semaphore_mem>> -> memref<1x!tpu.dma_semaphore, #tpu.memory_space<semaphore_mem>>
      %dma_wait3A_153 = tpu.memref_squeeze %dma_wait3A_152 : memref<1x!tpu.dma_semaphore, #tpu.memory_space<semaphore_mem>> -> memref<!tpu.dma_semaphore, #tpu.memory_space<semaphore_mem>>
      %dma_wait3A_154 = arith.constant 0 : i32
      %dma_wait3A_155 = tpu.memref_slice %arg2[%dma_wait3A_154] : memref<2621440xf32, #tpu.memory_space<hbm>> -> memref<4096xf32, #tpu.memory_space<hbm>>
      tpu.wait_dma2 semaphore(%dma_wait3A_153 : memref<!tpu.dma_semaphore, #tpu.memory_space<semaphore_mem>>) src(%dma_wait3A_155 : memref<4096xf32, #tpu.memory_space<hbm>>) dst(%arg20 : memref<4096xf32, #tpu.memory_space<vmem>>)
      %parallel_loop3A_156 = arith.constant 0 : i32
      %parallel_loop3A_157 = arith.constant 256 : i32
      %parallel_loop3A_158 = arith.constant 1 : i32
      scf.for %parallel_loop3A_236 = %parallel_loop3A_156 to %parallel_loop3A_157 step %parallel_loop3A_158  : i32 {
        %parallel_loop3A_237 = arith.constant 16 : i32
        %parallel_loop3A_238 = arith.muli %parallel_loop3A_236, %parallel_loop3A_237 : i32
        %parallel_loop3A_239 = arith.index_cast %parallel_loop3A_238 : i32 to index
        %parallel_loop3A_240 = tpu.vector_load %arg16[%parallel_loop3A_239] {strides = array<i32>} : memref<4096xi32, #tpu.memory_space<vmem>>, vector<16xi32>,
        %parallel_loop3A_241 = tpu.vector_load_idx %arg8[%parallel_loop3A_240] : memref<65536xf32, #tpu.memory_space<vmem>>[vector<16xi32>], vector<16xf32>,
        %parallel_loop3A_242 = arith.index_cast %parallel_loop3A_238 : i32 to index
        %parallel_loop3A_243 = tpu.vector_load %arg12[%parallel_loop3A_242] {strides = array<i32>} : memref<4096xi32, #tpu.memory_space<vmem>>, vector<16xi32>,
        %parallel_loop3A_244 = vector.broadcast %sub3A_77 : i32 to vector<16xi32>
        %parallel_loop3A_245 = arith.addi %parallel_loop3A_243, %parallel_loop3A_244 : vector<16xi32>
        %parallel_loop3A_246 = arith.constant 4095 : i32
        %parallel_loop3A_247 = vector.broadcast %parallel_loop3A_246 : i32 to vector<16xi32>
        %parallel_loop3A_248 = arith.andi %parallel_loop3A_245, %parallel_loop3A_247 : vector<16xi32>
        %parallel_loop3A_249 = arith.index_cast %parallel_loop3A_238 : i32 to index
        %parallel_loop3A_250 = tpu.vector_load %arg20[%parallel_loop3A_249] {strides = array<i32>} : memref<4096xf32, #tpu.memory_space<vmem>>, vector<16xf32>,
        %parallel_loop3A_251 = arith.mulf %parallel_loop3A_250, %parallel_loop3A_241 : vector<16xf32>
        tpu.vector_store_idx %arg9[%parallel_loop3A_248], %parallel_loop3A_251 {add = true} : memref<4096xf32, #tpu.memory_space<vmem>>[vector<16xi32>], vector<16xf32>,
      } {sc.loop_unroll_factor = 16 : i64, sc.parallel_access}
      %add3A_159 = arith.constant 3 : i32
      %add3A_160 = arith.addi %add3A_134, %add3A_159 : i32
      %lt3A_161 = arith.constant 20 : i32
      %lt3A_162 = arith.cmpi slt, %add3A_160, %lt3A_161 : i32
      %convert_element_type3A_163 = arith.extui %lt3A_162 : i1 to i32
      %cond3A_164 = arith.constant 0 : i32
      %cond3A_165 = arith.cmpi ne, %convert_element_type3A_163, %cond3A_164 : i32
      scf.if %cond3A_165 {
        %mul3A_236 = arith.constant 4096 : i32
        %mul3A_237 = arith.muli %add3A_160, %mul3A_236 : i32
        %add3A_238 = arith.addi %mul3A_2, %mul3A_237 : i32
        %dma_start3A_239 = arith.constant 0 : i32
        %dma_start3A_240 = tpu.memref_slice %arg5[%add3A_238] : memref<2621440xi32, #tpu.memory_space<hbm>> -> memref<4096xi32, #tpu.memory_space<hbm>>
        %dma_start3A_241 = tpu.memref_slice %arg26[%dma_start3A_239] : memref<4x!tpu.dma_semaphore, #tpu.memory_space<semaphore_mem>> -> memref<1x!tpu.dma_semaphore, #tpu.memory_space<semaphore_mem>>
        %dma_start3A_242 = tpu.memref_squeeze %dma_start3A_241 : memref<1x!tpu.dma_semaphore, #tpu.memory_space<semaphore_mem>> -> memref<!tpu.dma_semaphore, #tpu.memory_space<semaphore_mem>>
        %dma_start3A_243 = tpu.memref_slice %arg5[%add3A_238] : memref<2621440xi32, #tpu.memory_space<hbm>> -> memref<4096xi32, #tpu.memory_space<hbm>>
        tpu.enqueue_dma source(%dma_start3A_243 : memref<4096xi32, #tpu.memory_space<hbm>>) target(%arg11 : memref<4096xi32, #tpu.memory_space<vmem>>) target_semaphore(%dma_start3A_242 : memref<!tpu.dma_semaphore, #tpu.memory_space<semaphore_mem>>)
        %dma_start3A_244 = arith.constant 0 : i32
        %dma_start3A_245 = tpu.memref_slice %arg6[%add3A_238] : memref<2621440xi32, #tpu.memory_space<hbm>> -> memref<4096xi32, #tpu.memory_space<hbm>>
        %dma_start3A_246 = tpu.memref_slice %arg26[%dma_start3A_244] : memref<4x!tpu.dma_semaphore, #tpu.memory_space<semaphore_mem>> -> memref<1x!tpu.dma_semaphore, #tpu.memory_space<semaphore_mem>>
        %dma_start3A_247 = tpu.memref_squeeze %dma_start3A_246 : memref<1x!tpu.dma_semaphore, #tpu.memory_space<semaphore_mem>> -> memref<!tpu.dma_semaphore, #tpu.memory_space<semaphore_mem>>
        %dma_start3A_248 = tpu.memref_slice %arg6[%add3A_238] : memref<2621440xi32, #tpu.memory_space<hbm>> -> memref<4096xi32, #tpu.memory_space<hbm>>
        tpu.enqueue_dma source(%dma_start3A_248 : memref<4096xi32, #tpu.memory_space<hbm>>) target(%arg15 : memref<4096xi32, #tpu.memory_space<vmem>>) target_semaphore(%dma_start3A_247 : memref<!tpu.dma_semaphore, #tpu.memory_space<semaphore_mem>>)
        %dma_start3A_249 = arith.constant 0 : i32
        %dma_start3A_250 = tpu.memref_slice %arg2[%add3A_238] : memref<2621440xf32, #tpu.memory_space<hbm>> -> memref<4096xf32, #tpu.memory_space<hbm>>
        %dma_start3A_251 = tpu.memref_slice %arg26[%dma_start3A_249] : memref<4x!tpu.dma_semaphore, #tpu.memory_space<semaphore_mem>> -> memref<1x!tpu.dma_semaphore, #tpu.memory_space<semaphore_mem>>
        %dma_start3A_252 = tpu.memref_squeeze %dma_start3A_251 : memref<1x!tpu.dma_semaphore, #tpu.memory_space<semaphore_mem>> -> memref<!tpu.dma_semaphore, #tpu.memory_space<semaphore_mem>>
        %dma_start3A_253 = tpu.memref_slice %arg2[%add3A_238] : memref<2621440xf32, #tpu.memory_space<hbm>> -> memref<4096xf32, #tpu.memory_space<hbm>>
        tpu.enqueue_dma source(%dma_start3A_253 : memref<4096xf32, #tpu.memory_space<hbm>>) target(%arg19 : memref<4096xf32, #tpu.memory_space<vmem>>) target_semaphore(%dma_start3A_252 : memref<!tpu.dma_semaphore, #tpu.memory_space<semaphore_mem>>)
      } else {
      }
      %mul3A_166 = arith.constant 4 : i32
      %mul3A_167 = arith.muli %scan3A_97, %mul3A_166 : i32
      %add3A_168 = arith.constant 2 : i32
      %add3A_169 = arith.addi %mul3A_167, %add3A_168 : i32
      %dma_wait3A_170 = arith.constant 2 : i32
      %dma_wait3A_171 = arith.constant 0 : i32
      %dma_wait3A_172 = tpu.memref_slice %arg5[%dma_wait3A_171] : memref<2621440xi32, #tpu.memory_space<hbm>> -> memref<4096xi32, #tpu.memory_space<hbm>>
      %dma_wait3A_173 = tpu.memref_slice %arg26[%dma_wait3A_170] : memref<4x!tpu.dma_semaphore, #tpu.memory_space<semaphore_mem>> -> memref<1x!tpu.dma_semaphore, #tpu.memory_space<semaphore_mem>>
      %dma_wait3A_174 = tpu.memref_squeeze %dma_wait3A_173 : memref<1x!tpu.dma_semaphore, #tpu.memory_space<semaphore_mem>> -> memref<!tpu.dma_semaphore, #tpu.memory_space<semaphore_mem>>
      %dma_wait3A_175 = arith.constant 0 : i32
      %dma_wait3A_176 = tpu.memref_slice %arg5[%dma_wait3A_175] : memref<2621440xi32, #tpu.memory_space<hbm>> -> memref<4096xi32, #tpu.memory_space<hbm>>
      tpu.wait_dma2 semaphore(%dma_wait3A_174 : memref<!tpu.dma_semaphore, #tpu.memory_space<semaphore_mem>>) src(%dma_wait3A_176 : memref<4096xi32, #tpu.memory_space<hbm>>) dst(%arg13 : memref<4096xi32, #tpu.memory_space<vmem>>)
      %dma_wait3A_177 = arith.constant 2 : i32
      %dma_wait3A_178 = arith.constant 0 : i32
      %dma_wait3A_179 = tpu.memref_slice %arg6[%dma_wait3A_178] : memref<2621440xi32, #tpu.memory_space<hbm>> -> memref<4096xi32, #tpu.memory_space<hbm>>
      %dma_wait3A_180 = tpu.memref_slice %arg26[%dma_wait3A_177] : memref<4x!tpu.dma_semaphore, #tpu.memory_space<semaphore_mem>> -> memref<1x!tpu.dma_semaphore, #tpu.memory_space<semaphore_mem>>
      %dma_wait3A_181 = tpu.memref_squeeze %dma_wait3A_180 : memref<1x!tpu.dma_semaphore, #tpu.memory_space<semaphore_mem>> -> memref<!tpu.dma_semaphore, #tpu.memory_space<semaphore_mem>>
      %dma_wait3A_182 = arith.constant 0 : i32
      %dma_wait3A_183 = tpu.memref_slice %arg6[%dma_wait3A_182] : memref<2621440xi32, #tpu.memory_space<hbm>> -> memref<4096xi32, #tpu.memory_space<hbm>>
      tpu.wait_dma2 semaphore(%dma_wait3A_181 : memref<!tpu.dma_semaphore, #tpu.memory_space<semaphore_mem>>) src(%dma_wait3A_183 : memref<4096xi32, #tpu.memory_space<hbm>>) dst(%arg17 : memref<4096xi32, #tpu.memory_space<vmem>>)
      %dma_wait3A_184 = arith.constant 2 : i32
      %dma_wait3A_185 = arith.constant 0 : i32
      %dma_wait3A_186 = tpu.memref_slice %arg2[%dma_wait3A_185] : memref<2621440xf32, #tpu.memory_space<hbm>> -> memref<4096xf32, #tpu.memory_space<hbm>>
      %dma_wait3A_187 = tpu.memref_slice %arg26[%dma_wait3A_184] : memref<4x!tpu.dma_semaphore, #tpu.memory_space<semaphore_mem>> -> memref<1x!tpu.dma_semaphore, #tpu.memory_space<semaphore_mem>>
      %dma_wait3A_188 = tpu.memref_squeeze %dma_wait3A_187 : memref<1x!tpu.dma_semaphore, #tpu.memory_space<semaphore_mem>> -> memref<!tpu.dma_semaphore, #tpu.memory_space<semaphore_mem>>
      %dma_wait3A_189 = arith.constant 0 : i32
      %dma_wait3A_190 = tpu.memref_slice %arg2[%dma_wait3A_189] : memref<2621440xf32, #tpu.memory_space<hbm>> -> memref<4096xf32, #tpu.memory_space<hbm>>
      tpu.wait_dma2 semaphore(%dma_wait3A_188 : memref<!tpu.dma_semaphore, #tpu.memory_space<semaphore_mem>>) src(%dma_wait3A_190 : memref<4096xf32, #tpu.memory_space<hbm>>) dst(%arg21 : memref<4096xf32, #tpu.memory_space<vmem>>)
      %parallel_loop3A_191 = arith.constant 0 : i32
      %parallel_loop3A_192 = arith.constant 256 : i32
      %parallel_loop3A_193 = arith.constant 1 : i32
      scf.for %parallel_loop3A_236 = %parallel_loop3A_191 to %parallel_loop3A_192 step %parallel_loop3A_193  : i32 {
        %parallel_loop3A_237 = arith.constant 16 : i32
        %parallel_loop3A_238 = arith.muli %parallel_loop3A_236, %parallel_loop3A_237 : i32
        %parallel_loop3A_239 = arith.index_cast %parallel_loop3A_238 : i32 to index
        %parallel_loop3A_240 = tpu.vector_load %arg17[%parallel_loop3A_239] {strides = array<i32>} : memref<4096xi32, #tpu.memory_space<vmem>>, vector<16xi32>,
        %parallel_loop3A_241 = tpu.vector_load_idx %arg8[%parallel_loop3A_240] : memref<65536xf32, #tpu.memory_space<vmem>>[vector<16xi32>], vector<16xf32>,
        %parallel_loop3A_242 = arith.index_cast %parallel_loop3A_238 : i32 to index
        %parallel_loop3A_243 = tpu.vector_load %arg13[%parallel_loop3A_242] {strides = array<i32>} : memref<4096xi32, #tpu.memory_space<vmem>>, vector<16xi32>,
        %parallel_loop3A_244 = vector.broadcast %sub3A_77 : i32 to vector<16xi32>
        %parallel_loop3A_245 = arith.addi %parallel_loop3A_243, %parallel_loop3A_244 : vector<16xi32>
        %parallel_loop3A_246 = arith.constant 4095 : i32
        %parallel_loop3A_247 = vector.broadcast %parallel_loop3A_246 : i32 to vector<16xi32>
        %parallel_loop3A_248 = arith.andi %parallel_loop3A_245, %parallel_loop3A_247 : vector<16xi32>
        %parallel_loop3A_249 = arith.index_cast %parallel_loop3A_238 : i32 to index
        %parallel_loop3A_250 = tpu.vector_load %arg21[%parallel_loop3A_249] {strides = array<i32>} : memref<4096xf32, #tpu.memory_space<vmem>>, vector<16xf32>,
        %parallel_loop3A_251 = arith.mulf %parallel_loop3A_250, %parallel_loop3A_241 : vector<16xf32>
        tpu.vector_store_idx %arg9[%parallel_loop3A_248], %parallel_loop3A_251 {add = true} : memref<4096xf32, #tpu.memory_space<vmem>>[vector<16xi32>], vector<16xf32>,
      } {sc.loop_unroll_factor = 16 : i64, sc.parallel_access}
      %add3A_194 = arith.constant 3 : i32
      %add3A_195 = arith.addi %add3A_169, %add3A_194 : i32
      %lt3A_196 = arith.constant 20 : i32
      %lt3A_197 = arith.cmpi slt, %add3A_195, %lt3A_196 : i32
      %convert_element_type3A_198 = arith.extui %lt3A_197 : i1 to i32
      %cond3A_199 = arith.constant 0 : i32
      %cond3A_200 = arith.cmpi ne, %convert_element_type3A_198, %cond3A_199 : i32
      scf.if %cond3A_200 {
        %mul3A_236 = arith.constant 4096 : i32
        %mul3A_237 = arith.muli %add3A_195, %mul3A_236 : i32
        %add3A_238 = arith.addi %mul3A_2, %mul3A_237 : i32
        %dma_start3A_239 = arith.constant 1 : i32
        %dma_start3A_240 = tpu.memref_slice %arg5[%add3A_238] : memref<2621440xi32, #tpu.memory_space<hbm>> -> memref<4096xi32, #tpu.memory_space<hbm>>
        %dma_start3A_241 = tpu.memref_slice %arg26[%dma_start3A_239] : memref<4x!tpu.dma_semaphore, #tpu.memory_space<semaphore_mem>> -> memref<1x!tpu.dma_semaphore, #tpu.memory_space<semaphore_mem>>
        %dma_start3A_242 = tpu.memref_squeeze %dma_start3A_241 : memref<1x!tpu.dma_semaphore, #tpu.memory_space<semaphore_mem>> -> memref<!tpu.dma_semaphore, #tpu.memory_space<semaphore_mem>>
        %dma_start3A_243 = tpu.memref_slice %arg5[%add3A_238] : memref<2621440xi32, #tpu.memory_space<hbm>> -> memref<4096xi32, #tpu.memory_space<hbm>>
        tpu.enqueue_dma source(%dma_start3A_243 : memref<4096xi32, #tpu.memory_space<hbm>>) target(%arg12 : memref<4096xi32, #tpu.memory_space<vmem>>) target_semaphore(%dma_start3A_242 : memref<!tpu.dma_semaphore, #tpu.memory_space<semaphore_mem>>)
        %dma_start3A_244 = arith.constant 1 : i32
        %dma_start3A_245 = tpu.memref_slice %arg6[%add3A_238] : memref<2621440xi32, #tpu.memory_space<hbm>> -> memref<4096xi32, #tpu.memory_space<hbm>>
        %dma_start3A_246 = tpu.memref_slice %arg26[%dma_start3A_244] : memref<4x!tpu.dma_semaphore, #tpu.memory_space<semaphore_mem>> -> memref<1x!tpu.dma_semaphore, #tpu.memory_space<semaphore_mem>>
        %dma_start3A_247 = tpu.memref_squeeze %dma_start3A_246 : memref<1x!tpu.dma_semaphore, #tpu.memory_space<semaphore_mem>> -> memref<!tpu.dma_semaphore, #tpu.memory_space<semaphore_mem>>
        %dma_start3A_248 = tpu.memref_slice %arg6[%add3A_238] : memref<2621440xi32, #tpu.memory_space<hbm>> -> memref<4096xi32, #tpu.memory_space<hbm>>
        tpu.enqueue_dma source(%dma_start3A_248 : memref<4096xi32, #tpu.memory_space<hbm>>) target(%arg16 : memref<4096xi32, #tpu.memory_space<vmem>>) target_semaphore(%dma_start3A_247 : memref<!tpu.dma_semaphore, #tpu.memory_space<semaphore_mem>>)
        %dma_start3A_249 = arith.constant 1 : i32
        %dma_start3A_250 = tpu.memref_slice %arg2[%add3A_238] : memref<2621440xf32, #tpu.memory_space<hbm>> -> memref<4096xf32, #tpu.memory_space<hbm>>
        %dma_start3A_251 = tpu.memref_slice %arg26[%dma_start3A_249] : memref<4x!tpu.dma_semaphore, #tpu.memory_space<semaphore_mem>> -> memref<1x!tpu.dma_semaphore, #tpu.memory_space<semaphore_mem>>
        %dma_start3A_252 = tpu.memref_squeeze %dma_start3A_251 : memref<1x!tpu.dma_semaphore, #tpu.memory_space<semaphore_mem>> -> memref<!tpu.dma_semaphore, #tpu.memory_space<semaphore_mem>>
        %dma_start3A_253 = tpu.memref_slice %arg2[%add3A_238] : memref<2621440xf32, #tpu.memory_space<hbm>> -> memref<4096xf32, #tpu.memory_space<hbm>>
        tpu.enqueue_dma source(%dma_start3A_253 : memref<4096xf32, #tpu.memory_space<hbm>>) target(%arg20 : memref<4096xf32, #tpu.memory_space<vmem>>) target_semaphore(%dma_start3A_252 : memref<!tpu.dma_semaphore, #tpu.memory_space<semaphore_mem>>)
      } else {
      }
      %mul3A_201 = arith.constant 4 : i32
      %mul3A_202 = arith.muli %scan3A_97, %mul3A_201 : i32
      %add3A_203 = arith.constant 3 : i32
      %add3A_204 = arith.addi %mul3A_202, %add3A_203 : i32
      %dma_wait3A_205 = arith.constant 3 : i32
      %dma_wait3A_206 = arith.constant 0 : i32
      %dma_wait3A_207 = tpu.memref_slice %arg5[%dma_wait3A_206] : memref<2621440xi32, #tpu.memory_space<hbm>> -> memref<4096xi32, #tpu.memory_space<hbm>>
      %dma_wait3A_208 = tpu.memref_slice %arg26[%dma_wait3A_205] : memref<4x!tpu.dma_semaphore, #tpu.memory_space<semaphore_mem>> -> memref<1x!tpu.dma_semaphore, #tpu.memory_space<semaphore_mem>>
      %dma_wait3A_209 = tpu.memref_squeeze %dma_wait3A_208 : memref<1x!tpu.dma_semaphore, #tpu.memory_space<semaphore_mem>> -> memref<!tpu.dma_semaphore, #tpu.memory_space<semaphore_mem>>
      %dma_wait3A_210 = arith.constant 0 : i32
      %dma_wait3A_211 = tpu.memref_slice %arg5[%dma_wait3A_210] : memref<2621440xi32, #tpu.memory_space<hbm>> -> memref<4096xi32, #tpu.memory_space<hbm>>
      tpu.wait_dma2 semaphore(%dma_wait3A_209 : memref<!tpu.dma_semaphore, #tpu.memory_space<semaphore_mem>>) src(%dma_wait3A_211 : memref<4096xi32, #tpu.memory_space<hbm>>) dst(%arg14 : memref<4096xi32, #tpu.memory_space<vmem>>)
      %dma_wait3A_212 = arith.constant 3 : i32
      %dma_wait3A_213 = arith.constant 0 : i32
      %dma_wait3A_214 = tpu.memref_slice %arg6[%dma_wait3A_213] : memref<2621440xi32, #tpu.memory_space<hbm>> -> memref<4096xi32, #tpu.memory_space<hbm>>
      %dma_wait3A_215 = tpu.memref_slice %arg26[%dma_wait3A_212] : memref<4x!tpu.dma_semaphore, #tpu.memory_space<semaphore_mem>> -> memref<1x!tpu.dma_semaphore, #tpu.memory_space<semaphore_mem>>
      %dma_wait3A_216 = tpu.memref_squeeze %dma_wait3A_215 : memref<1x!tpu.dma_semaphore, #tpu.memory_space<semaphore_mem>> -> memref<!tpu.dma_semaphore, #tpu.memory_space<semaphore_mem>>
      %dma_wait3A_217 = arith.constant 0 : i32
      %dma_wait3A_218 = tpu.memref_slice %arg6[%dma_wait3A_217] : memref<2621440xi32, #tpu.memory_space<hbm>> -> memref<4096xi32, #tpu.memory_space<hbm>>
      tpu.wait_dma2 semaphore(%dma_wait3A_216 : memref<!tpu.dma_semaphore, #tpu.memory_space<semaphore_mem>>) src(%dma_wait3A_218 : memref<4096xi32, #tpu.memory_space<hbm>>) dst(%arg18 : memref<4096xi32, #tpu.memory_space<vmem>>)
      %dma_wait3A_219 = arith.constant 3 : i32
      %dma_wait3A_220 = arith.constant 0 : i32
      %dma_wait3A_221 = tpu.memref_slice %arg2[%dma_wait3A_220] : memref<2621440xf32, #tpu.memory_space<hbm>> -> memref<4096xf32, #tpu.memory_space<hbm>>
      %dma_wait3A_222 = tpu.memref_slice %arg26[%dma_wait3A_219] : memref<4x!tpu.dma_semaphore, #tpu.memory_space<semaphore_mem>> -> memref<1x!tpu.dma_semaphore, #tpu.memory_space<semaphore_mem>>
      %dma_wait3A_223 = tpu.memref_squeeze %dma_wait3A_222 : memref<1x!tpu.dma_semaphore, #tpu.memory_space<semaphore_mem>> -> memref<!tpu.dma_semaphore, #tpu.memory_space<semaphore_mem>>
      %dma_wait3A_224 = arith.constant 0 : i32
      %dma_wait3A_225 = tpu.memref_slice %arg2[%dma_wait3A_224] : memref<2621440xf32, #tpu.memory_space<hbm>> -> memref<4096xf32, #tpu.memory_space<hbm>>
      tpu.wait_dma2 semaphore(%dma_wait3A_223 : memref<!tpu.dma_semaphore, #tpu.memory_space<semaphore_mem>>) src(%dma_wait3A_225 : memref<4096xf32, #tpu.memory_space<hbm>>) dst(%arg22 : memref<4096xf32, #tpu.memory_space<vmem>>)
      %parallel_loop3A_226 = arith.constant 0 : i32
      %parallel_loop3A_227 = arith.constant 256 : i32
      %parallel_loop3A_228 = arith.constant 1 : i32
      scf.for %parallel_loop3A_236 = %parallel_loop3A_226 to %parallel_loop3A_227 step %parallel_loop3A_228  : i32 {
        %parallel_loop3A_237 = arith.constant 16 : i32
        %parallel_loop3A_238 = arith.muli %parallel_loop3A_236, %parallel_loop3A_237 : i32
        %parallel_loop3A_239 = arith.index_cast %parallel_loop3A_238 : i32 to index
        %parallel_loop3A_240 = tpu.vector_load %arg18[%parallel_loop3A_239] {strides = array<i32>} : memref<4096xi32, #tpu.memory_space<vmem>>, vector<16xi32>,
        %parallel_loop3A_241 = tpu.vector_load_idx %arg8[%parallel_loop3A_240] : memref<65536xf32, #tpu.memory_space<vmem>>[vector<16xi32>], vector<16xf32>,
        %parallel_loop3A_242 = arith.index_cast %parallel_loop3A_238 : i32 to index
        %parallel_loop3A_243 = tpu.vector_load %arg14[%parallel_loop3A_242] {strides = array<i32>} : memref<4096xi32, #tpu.memory_space<vmem>>, vector<16xi32>,
        %parallel_loop3A_244 = vector.broadcast %sub3A_77 : i32 to vector<16xi32>
        %parallel_loop3A_245 = arith.addi %parallel_loop3A_243, %parallel_loop3A_244 : vector<16xi32>
        %parallel_loop3A_246 = arith.constant 4095 : i32
        %parallel_loop3A_247 = vector.broadcast %parallel_loop3A_246 : i32 to vector<16xi32>
        %parallel_loop3A_248 = arith.andi %parallel_loop3A_245, %parallel_loop3A_247 : vector<16xi32>
        %parallel_loop3A_249 = arith.index_cast %parallel_loop3A_238 : i32 to index
        %parallel_loop3A_250 = tpu.vector_load %arg22[%parallel_loop3A_249] {strides = array<i32>} : memref<4096xf32, #tpu.memory_space<vmem>>, vector<16xf32>,
        %parallel_loop3A_251 = arith.mulf %parallel_loop3A_250, %parallel_loop3A_241 : vector<16xf32>
        tpu.vector_store_idx %arg9[%parallel_loop3A_248], %parallel_loop3A_251 {add = true} : memref<4096xf32, #tpu.memory_space<vmem>>[vector<16xi32>], vector<16xf32>,
      } {sc.loop_unroll_factor = 16 : i64, sc.parallel_access}
      %add3A_229 = arith.constant 3 : i32
      %add3A_230 = arith.addi %add3A_204, %add3A_229 : i32
      %lt3A_231 = arith.constant 20 : i32
      %lt3A_232 = arith.cmpi slt, %add3A_230, %lt3A_231 : i32
      %convert_element_type3A_233 = arith.extui %lt3A_232 : i1 to i32
      %cond3A_234 = arith.constant 0 : i32
      %cond3A_235 = arith.cmpi ne, %convert_element_type3A_233, %cond3A_234 : i32
      scf.if %cond3A_235 {
        %mul3A_236 = arith.constant 4096 : i32
        %mul3A_237 = arith.muli %add3A_230, %mul3A_236 : i32
        %add3A_238 = arith.addi %mul3A_2, %mul3A_237 : i32
        %dma_start3A_239 = arith.constant 2 : i32
        %dma_start3A_240 = tpu.memref_slice %arg5[%add3A_238] : memref<2621440xi32, #tpu.memory_space<hbm>> -> memref<4096xi32, #tpu.memory_space<hbm>>
        %dma_start3A_241 = tpu.memref_slice %arg26[%dma_start3A_239] : memref<4x!tpu.dma_semaphore, #tpu.memory_space<semaphore_mem>> -> memref<1x!tpu.dma_semaphore, #tpu.memory_space<semaphore_mem>>
        %dma_start3A_242 = tpu.memref_squeeze %dma_start3A_241 : memref<1x!tpu.dma_semaphore, #tpu.memory_space<semaphore_mem>> -> memref<!tpu.dma_semaphore, #tpu.memory_space<semaphore_mem>>
        %dma_start3A_243 = tpu.memref_slice %arg5[%add3A_238] : memref<2621440xi32, #tpu.memory_space<hbm>> -> memref<4096xi32, #tpu.memory_space<hbm>>
        tpu.enqueue_dma source(%dma_start3A_243 : memref<4096xi32, #tpu.memory_space<hbm>>) target(%arg13 : memref<4096xi32, #tpu.memory_space<vmem>>) target_semaphore(%dma_start3A_242 : memref<!tpu.dma_semaphore, #tpu.memory_space<semaphore_mem>>)
        %dma_start3A_244 = arith.constant 2 : i32
        %dma_start3A_245 = tpu.memref_slice %arg6[%add3A_238] : memref<2621440xi32, #tpu.memory_space<hbm>> -> memref<4096xi32, #tpu.memory_space<hbm>>
        %dma_start3A_246 = tpu.memref_slice %arg26[%dma_start3A_244] : memref<4x!tpu.dma_semaphore, #tpu.memory_space<semaphore_mem>> -> memref<1x!tpu.dma_semaphore, #tpu.memory_space<semaphore_mem>>
        %dma_start3A_247 = tpu.memref_squeeze %dma_start3A_246 : memref<1x!tpu.dma_semaphore, #tpu.memory_space<semaphore_mem>> -> memref<!tpu.dma_semaphore, #tpu.memory_space<semaphore_mem>>
        %dma_start3A_248 = tpu.memref_slice %arg6[%add3A_238] : memref<2621440xi32, #tpu.memory_space<hbm>> -> memref<4096xi32, #tpu.memory_space<hbm>>
        tpu.enqueue_dma source(%dma_start3A_248 : memref<4096xi32, #tpu.memory_space<hbm>>) target(%arg17 : memref<4096xi32, #tpu.memory_space<vmem>>) target_semaphore(%dma_start3A_247 : memref<!tpu.dma_semaphore, #tpu.memory_space<semaphore_mem>>)
        %dma_start3A_249 = arith.constant 2 : i32
        %dma_start3A_250 = tpu.memref_slice %arg2[%add3A_238] : memref<2621440xf32, #tpu.memory_space<hbm>> -> memref<4096xf32, #tpu.memory_space<hbm>>
        %dma_start3A_251 = tpu.memref_slice %arg26[%dma_start3A_249] : memref<4x!tpu.dma_semaphore, #tpu.memory_space<semaphore_mem>> -> memref<1x!tpu.dma_semaphore, #tpu.memory_space<semaphore_mem>>
        %dma_start3A_252 = tpu.memref_squeeze %dma_start3A_251 : memref<1x!tpu.dma_semaphore, #tpu.memory_space<semaphore_mem>> -> memref<!tpu.dma_semaphore, #tpu.memory_space<semaphore_mem>>
        %dma_start3A_253 = tpu.memref_slice %arg2[%add3A_238] : memref<2621440xf32, #tpu.memory_space<hbm>> -> memref<4096xf32, #tpu.memory_space<hbm>>
        tpu.enqueue_dma source(%dma_start3A_253 : memref<4096xf32, #tpu.memory_space<hbm>>) target(%arg21 : memref<4096xf32, #tpu.memory_space<vmem>>) target_semaphore(%dma_start3A_252 : memref<!tpu.dma_semaphore, #tpu.memory_space<semaphore_mem>>)
      } else {
      }
    }
    %scan3A_83 = arith.constant 5 : i32
    %scan3A_84 = arith.constant 0 : i32
    %scan3A_85 = arith.constant 0 : i32
    %scan3A_86 = arith.constant 256 : i32
    %scan3A_87 = arith.addi %scan3A_85, %scan3A_86 : i32
    %scan3A_88 = arith.constant 1 : i32
    scf.for %scan3A_97 = %scan3A_85 to %scan3A_87 step %scan3A_88  : i32 {
      %mul3A_98 = arith.constant 16 : i32
      %mul3A_99 = arith.muli %scan3A_97, %mul3A_98 : i32
      %iota3A = tpu.iota {dimensions = array<i32: 0>} : vector<16xi32>
      %mul3A_100 = arith.constant 16 : i32
      %mul3A_101 = arith.muli %scan3A_97, %mul3A_100 : i32
      %add3A_102 = arith.addi %mul3A_101, %mul3A_4 : i32
      %add3A_103 = vector.broadcast %add3A_102 : i32 to vector<16xi32>
      %add3A_104 = arith.addi %iota3A, %add3A_103 : vector<16xi32>
      %and3A = arith.constant 4095 : i32
      %and3A_105 = vector.broadcast %and3A : i32 to vector<16xi32>
      %and3A_106 = arith.andi %add3A_104, %and3A_105 : vector<16xi32>
      %swap3A = arith.index_cast %mul3A_99 : i32 to index
      %swap3A_107 = tpu.vector_load %arg11[%swap3A] {strides = array<i32>} : memref<4096xi32, #tpu.memory_space<vmem>>, vector<16xi32>,
      tpu.vector_store %arg11[%swap3A], %and3A_106 {strides = array<i32>} : memref<4096xi32, #tpu.memory_space<vmem>>, vector<16xi32>,
    }
    %scan3A_89 = arith.constant 256 : i32
    %barrier3A_90 = arith.constant 0 : index
    tpu.barrier barrier_id(%barrier3A_90)
    "tpu.region"() ({
      %run_scoped3A = tpu.sem_alloc : memref<!tpu.dma_semaphore, #tpu.memory_space<semaphore_mem>>
      %dma_start3A_97 = arith.constant 0 : i32
      %dma_start3A_98 = tpu.memref_slice %arg24[%dma_start3A_97] : memref<4096xf32, #tpu.memory_space<vmem_shared>> -> memref<4096xf32, #tpu.memory_space<vmem_shared>>
      tpu.enqueue_indirect_dma source(%arg9 : memref<4096xf32, #tpu.memory_space<vmem>>) target(%dma_start3A_98 : memref<4096xf32, #tpu.memory_space<vmem_shared>>) offsets(%arg11 : memref<4096xi32, #tpu.memory_space<vmem>>) semaphore(%run_scoped3A : memref<!tpu.dma_semaphore, #tpu.memory_space<semaphore_mem>>) {add = true}
      %dma_wait3A_99 = arith.constant 0 : i32
      %dma_wait3A_100 = tpu.memref_slice %arg24[%dma_wait3A_99] : memref<4096xf32, #tpu.memory_space<vmem_shared>> -> memref<4096xf32, #tpu.memory_space<vmem_shared>>
      tpu.wait_indirect_dma semaphore(%run_scoped3A : memref<!tpu.dma_semaphore, #tpu.memory_space<semaphore_mem>>) src(%arg9 : memref<4096xf32, #tpu.memory_space<vmem>>) dst(%dma_wait3A_100 : memref<4096xf32, #tpu.memory_space<vmem_shared>>)
      tpu.yield
    }) : () -> ()
    %barrier3A_91 = arith.constant 0 : index
    tpu.barrier barrier_id(%barrier3A_91)
    %eq3A_92 = arith.constant 0 : i32
    %eq3A_93 = arith.cmpi eq, %arg1, %eq3A_92 : i32
    %convert_element_type3A_94 = arith.extui %eq3A_93 : i1 to i32
    %cond3A_95 = arith.constant 0 : i32
    %cond3A_96 = arith.cmpi ne, %convert_element_type3A_94, %cond3A_95 : i32
    scf.if %cond3A_96 {
      "tpu.region"() ({
        %run_scoped3A = tpu.sem_alloc : memref<!tpu.dma_semaphore, #tpu.memory_space<semaphore_mem>>
        %dma_start3A_97 = arith.constant 0 : i32
        %dma_start3A_98 = tpu.memref_slice %arg7[%arg0, %dma_start3A_97] : memref<2x4096xf32, #tpu.memory_space<hbm>> -> memref<1x4096xf32, #tpu.memory_space<hbm>>
        %dma_start3A_99 = tpu.memref_squeeze %dma_start3A_98 : memref<1x4096xf32, #tpu.memory_space<hbm>> -> memref<4096xf32, #tpu.memory_space<hbm>>
        tpu.enqueue_dma source(%arg24 : memref<4096xf32, #tpu.memory_space<vmem_shared>>) target(%dma_start3A_99 : memref<4096xf32, #tpu.memory_space<hbm>>) target_semaphore(%run_scoped3A : memref<!tpu.dma_semaphore, #tpu.memory_space<semaphore_mem>>)
        %dma_wait3A_100 = arith.constant 0 : i32
        %dma_wait3A_101 = tpu.memref_slice %arg7[%arg0, %dma_wait3A_100] : memref<2x4096xf32, #tpu.memory_space<hbm>> -> memref<1x4096xf32, #tpu.memory_space<hbm>>
        %dma_wait3A_102 = tpu.memref_squeeze %dma_wait3A_101 : memref<1x4096xf32, #tpu.memory_space<hbm>> -> memref<4096xf32, #tpu.memory_space<hbm>>
        tpu.wait_dma2 semaphore(%run_scoped3A : memref<!tpu.dma_semaphore, #tpu.memory_space<semaphore_mem>>) src(%arg24 : memref<4096xf32, #tpu.memory_space<vmem_shared>>) dst(%dma_wait3A_102 : memref<4096xf32, #tpu.memory_space<hbm>>)
        tpu.yield
      }) : () -> ()
    } else {
    }
    return
  }
}

module attributes {stable_mosaic.version = 14 : i64} {
  func.func @_sum2_body(%arg0: memref<2x4096xf32, #tpu.memory_space<vmem>>, %arg1: memref<4096xf32, #tpu.memory_space<vmem>>) attributes {dimension_semantics = [], scalar_prefetch = 0 : i64, scratch_operands = 0 : i64, tpu.core_type = #tpu.core_type<tc>} {
    %get3A = arith.constant 0 : index
    %get3A_0 = arith.constant 0 : index
    %get3A_1 = vector.load %arg0[%get3A, %get3A_0] : memref<2x4096xf32, #tpu.memory_space<vmem>>, vector<1x4096xf32>
    %get3A_2 = vector.shape_cast %get3A_1 : vector<1x4096xf32> to vector<4096xf32>
    %get3A_3 = arith.constant 1 : index
    %get3A_4 = arith.constant 0 : index
    %get3A_5 = vector.load %arg0[%get3A_3, %get3A_4] : memref<2x4096xf32, #tpu.memory_space<vmem>>, vector<1x4096xf32>
    %get3A_6 = vector.shape_cast %get3A_5 : vector<1x4096xf32> to vector<4096xf32>
    %add3A = arith.addf %get3A_2, %get3A_6 : vector<4096xf32>
    %swap3A = arith.constant 0 : index
    %swap3A_7 = vector.load %arg1[%swap3A] : memref<4096xf32, #tpu.memory_space<vmem>>, vector<4096xf32>
    tpu.vector_store %arg1[%swap3A], %add3A {strides = array<i32>} : memref<4096xf32, #tpu.memory_space<vmem>>, vector<4096xf32>,
    return
  }
}

</mosaic_0001>

<sc_bundles>
// kernel: kernel.4.cloned.1.call-start
scs
__scs_entry_jumppad:
0x0: {  	(pc) =	sbr.rel $0x88, $3  }
0x1: {  	(tag) =	ssettag $0x0;
	lr =	simm.s32 $0x1  }
0x2: {  	[smem:$0x3F9C] =	sst lr;
	_ =	strace $0xD0000000  }
0x3: {  	_ = 	snop  }
0x4: {  	_ = 	snop  }
0x5: {  	_ = 	snop  }
0x6: {  	_ = 	snop  }
0x7: {  	_ = 	snop  }
__scs_overlays_trampoline_lowered:
0x8: {  	[smem:$0x3FAB] =	sst s0  }
0x9: {  	[smem:$0x3FAC] =	sst s1  }
0xa: {  	[smem:$0x3FAD] =	sst s2  }
0xb: {  	[smem:$0x3FAE] =	sst s3  }
0xc: {  	[smem:$0x3FAF] =	sst s4  }
0xd: {  	[smem:$0x3FB0] =	sst s5  }
0xe: {  	[smem:$0x3FB1] =	sst s6  }
0xf: {  	[smem:$0x3FB2] =	sst s7  }
0x10: {  	[smem:$0x3FB3] =	sst s8  }
0x11: {  	[smem:$0x3FB4] =	sst s9;
	s0 =	simm.s32 @!p0 $0x0  }
0x12: {  	s1 =	sld [smem:$0x3F9A];
	s0 =	simm.s32 @p0 $0x1  }
0x13: {  	[smem:$0x3FB5] =	sst s0;
	s0 =	simm.s32 @!p1 $0x0  }
0x14: {  	s2 =	sld [smem:$0x3F99];
	s0 =	simm.s32 @p1 $0x1  }
0x15: {  	[smem:$0x3FB6] =	sst s0;
	s0 =	simm.s32 @!p2 $0x0  }
0x16: {  	s3 =	sld [smem:$0x3FDB];
	s0 =	simm.s32 @p2 $0x1  }
0x17: {  	s4 =	simm.s32 $0x1BF5;
	[smem:$0x3FB8] =	sst s0  }
0x18: {  	s0 =	sld [smem:$0x3F9B];
	_ =	swait.ge [sflag:s4], $0x0  }
0x19: {  	s7 =	sld [smem:$0x3F9C]  }
0x1a: {  	s8 =	sadd.s32 $0xFFFFE003, lr  }
0x1b: {  	s9 =	sadd.s32 $0xFFFFFEF7, lr;
	s5 =	simm.s32 $0xFFFFFFFF;
	p2 =	slt.u32 s8, $0xFFFFF086  }
0x1c: {  	p1 =	slt.u32 s9, $0xF7A;
	s5 =	simm.s32 @!p2 $0x0  }
0x1d: {  	s5 =	simm.s32 @p1 $0x1;
	p0 =	seq.s32 s7, s2  }
0x1e: {  	s7 =	smul.u32 @!p0 $0xF7A, s2;
	p2 =	seq.s32 @!p0 s5, $0x0  }
0x1f: {  	s9 =	smul.u32 $0xF7A, s1;
	s8 =	simm.s32 @!p0 $0x1BF5;
	p2 =	por !p2, p0  }
0x20: {  	[sflag:s8] =	ssyncset.s32 @!p0 $0xFFFFF086;
	s6 =	sadd.s32 @!p0 s3, s7;
	s7 =	simm.s32 @!p0 $0x108  }
0x21: {  	s3 =	sadd.s32 s3, s9;
	s6 =	sadd.s32 @!p0 $0x88, s6;
	s7 =	simm.s32 @p2 $0x1082  }
0x22: {  	[simem:s7], [sflag:s8] =	dma.local @!p0 [hbm:s6], $0xF7A  }
0x23: {  	s9 =	sor.u32 $0xD0000000, s2;
	s6 =	simm.s32 $0x108;
	_ =	swait.ge @!p0 [sflag:s8], $0x0  }
0x24: {  	s3 =	sadd.s32 $0x88, s3;
	s6 =	simm.s32 @!p1 $0x1082;
	[sflag:s4] =	ssyncset.s32 $0xFFFFF086  }
0x25: {  	[simem:s6], [sflag:s4] =	dma.local [hbm:s3], $0xF7A  }
0x26: {  	[smem:$0x3F9C] =	sst s1;
	(tag) =	ssettag s2;
	_ =	strace s9  }
0x27: {  	s1 =	sld [smem:$0x3FAC]  }
0x28: {  	s2 =	sld [smem:$0x3FAD]  }
0x29: {  	s4 =	sld [smem:$0x3FAF]  }
0x2a: {  	p0 =	seq.s32 s5, $0x0;
	s5 =	sld [smem:$0x3FB0]  }
0x2b: {  	s6 =	sld [smem:$0x3FB1]  }
0x2c: {  	s7 =	sld [smem:$0x3FB2]  }
0x2d: {  	s3 =	simm.s32 $0x108;
	s8 =	sld [smem:$0x3FB3]  }
0x2e: {  	s3 =	simm.s32 @!p0 $0x1082;
	s9 =	sld [smem:$0x3FB4]  }
0x2f: {  	lr =	sadd.s32 s0, s3;
	s0 =	sld [smem:$0x3FAB]  }
0x30: {  	s3 =	sld [smem:$0x3FAE]  }
0x31: {  	[smem:$0x3FB7] =	sst s10  }
0x32: {  	s10 =	sld [smem:$0x3FB5];
	_ =	sdelay $0x3  }
0x33: {  	p0 =	seq.s32 s10, $0x1;
	s10 =	sld [smem:$0x3FB7];
	_ =	sdelay $0x3  }
0x34: {  	[smem:$0x3FB7] =	sst s10  }
0x35: {  	s10 =	sld [smem:$0x3FB6];
	_ =	sdelay $0x3  }
0x36: {  	p1 =	seq.s32 s10, $0x1;
	s10 =	sld [smem:$0x3FB7];
	_ =	sdelay $0x3  }
0x37: {  	[smem:$0x3FB7] =	sst s10  }
0x38: {  	s10 =	sld [smem:$0x3FB8]  }
0x39: {  	_ = 	snop;
	(pc) =	sbr.ind lr, $3  }
0x3a: {  	_ = 	snop  }
0x3b: {  	_ = 	snop  }
0x3c: {  	p2 =	seq.s32 s10, $0x1;
	s10 =	sld [smem:$0x3FB7]  }
0x3d: {  	_ =	shalt  }
0x3e: {  	_ =	shalt  }
0x3f: {  	_ =	shalt  }
0x40: {  	_ =	shalt  }
0x41: {  	_ =	shalt  }
0x42: {  	_ =	shalt  }
0x43: {  	_ =	shalt  }
0x44: {  	_ =	shalt  }
0x45: {  	_ =	shalt  }
0x46: {  	_ =	shalt  }
0x47: {  	_ =	shalt  }
0x48: {  	_ =	shalt  }
0x49: {  	_ =	shalt  }
0x4a: {  	_ =	shalt  }
0x4b: {  	_ =	shalt  }
0x4c: {  	_ =	shalt  }
0x4d: {  	_ =	shalt  }
0x4e: {  	_ =	shalt  }
0x4f: {  	_ =	shalt  }
0x50: {  	_ =	shalt  }
0x51: {  	_ =	shalt  }
0x52: {  	_ =	shalt  }
0x53: {  	_ =	shalt  }
0x54: {  	_ =	shalt  }
0x55: {  	_ =	shalt  }
0x56: {  	_ =	shalt  }
0x57: {  	_ =	shalt  }
0x58: {  	_ =	shalt  }
0x59: {  	_ =	shalt  }
0x5a: {  	_ =	shalt  }
0x5b: {  	_ =	shalt  }
0x5c: {  	_ =	shalt  }
0x5d: {  	_ =	shalt  }
0x5e: {  	_ =	shalt  }
0x5f: {  	_ =	shalt  }
0x60: {  	_ =	shalt  }
0x61: {  	_ =	shalt  }
0x62: {  	_ =	shalt  }
0x63: {  	_ =	shalt  }
0x64: {  	_ =	shalt  }
0x65: {  	_ =	shalt  }
0x66: {  	_ =	shalt  }
0x67: {  	_ =	shalt  }
0x68: {  	_ =	shalt  }
0x69: {  	_ =	shalt  }
0x6a: {  	_ =	shalt  }
0x6b: {  	_ =	shalt  }
0x6c: {  	_ =	shalt  }
0x6d: {  	_ =	shalt  }
0x6e: {  	_ =	shalt  }
0x6f: {  	_ =	shalt  }
0x70: {  	_ =	shalt  }
0x71: {  	_ =	shalt  }
0x72: {  	_ =	shalt  }
0x73: {  	_ =	shalt  }
0x74: {  	_ =	shalt  }
0x75: {  	_ =	shalt  }
0x76: {  	_ =	shalt  }
0x77: {  	_ =	shalt  }
0x78: {  	_ =	shalt  }
0x79: {  	_ =	shalt  }
0x7a: {  	_ =	shalt  }
0x7b: {  	_ =	shalt  }
0x7c: {  	_ =	shalt  }
0x7d: {  	_ =	shalt  }
0x7e: {  	_ =	shalt  }
0x7f: {  	_ =	shalt  }
0x80: {  	_ =	shalt  }
0x81: {  	_ =	shalt  }
0x82: {  	_ =	shalt  }
0x83: {  	_ =	shalt  }
0x84: {  	_ =	shalt  }
0x85: {  	_ =	shalt  }
0x86: {  	_ =	shalt  }
0x87: {  	_ =	shalt  }
.Lfunc_end0:
.L_simem_size_0:
called_computation_lowered:
.L_overlay_start_0:
0x88: {  	s2 =	sld [smem:$0x3FD9]  }
0x89: {  	s3 =	sld [smem:$0x3FFE];
	_ =	sdelay $0x1  }
0x8a: {  	s1 =	srdreg.scid  }
0x8b: {  	s0 =	sand.u32 $0x1, s1  }
0x8c: {  	s17 =	sshll.u32 s0, $0xA;
	s2 =	sadd.s32 s3, s2  }
0x8d: {  	s2 =	sadd.s32 s2, s17  }
0x8e: {  	[smem:$0x3FC3] =	sst s2  }
0x8f: {  	_ = 	snop  }
0x90: {  	s2 =	sld [smem:$0x3FC9]  }
0x91: {  	s18 =	sld [smem:$0x3FC8]  }
0x92: {  	s4 =	sld [smem:$0x3FC7]  }
0x93: {  	s5 =	sld [smem:$0x3FC6]  }
0x94: {  	s6 =	sld [smem:$0x3FC5];
	(tm) =	ssettm $0x1  }
0x95: {  	s7 =	sld [smem:$0x3FFB];
	_ =	sdelay $0x3  }
0x96: {  	_ =	strace s7  }
0x97: {  	s7 =	sld [smem:$0x3FFC];
	_ =	sdelay $0x3  }
0x98: {  	_ =	strace s7  }
0x99: {  	s7 =	sld [smem:$0x3FFD];
	_ =	sdelay $0x3  }
0x9a: {  	_ =	strace s7  }
0x9b: {  	_ =	strace $0x8FFFFFFF  }
0x9c: {  	s19 =	sld [smem:$0x3FDB];
	_ =	sdelay $0x1  }
0x9d: {  	s8 =	simm.s32 $_scs_section_size  }
0x9e: {  	s9 =	simm.s32 $_size__tile_overlayer_lowered;
	s10 =	simm.s32 $_tile_overlayer_lowered  }
0x9f: {  	s22 =	simm.s32 $0x1BFF;
	s21 =	sshll.u32 s10, $0x1;
	s7 =	sadd.s32 s8, s19  }
0xa0: {  	s11 =	simm.s32 $0x0;
	s20 =	sshll.u32 s9, $0x1;
	s9 =	sadd.s32 s21, s7  }
0xa1: {  	[timem:s11], [sflag:s22] =	dma.local [hbm:s9], s20  }
0xa2: {  	_ =	swait.ge [sflag:s22], s20  }
0xa3: {  	s8 =	ssub.s32 $0x0, s20;
	[sflag:s22] =	ssyncset.done $0x0  }
0xa4: {  	[sflag:s22] =	ssyncadd.s32 s8;
	_ =	sdelay $0x1  }
0xa5: {  	s23 =	simm.s32 $0x1B8B  }
0xa6: {  	_ =	swait.ge [sflag:s23], $0x1  }
0xa7: {  	[sflag:s23] =	ssyncset.done $0x0  }
0xa8: {  	s25 =	simm.s32 $0x1B8E;
	s24 =	sld [smem:$0x3FFE];
	[sflag:s23] =	ssyncadd.s32 $0xFFFFFFFF  }
0xa9: {  	s26 =	simm.s32 $execute0_lowered;
	[smem:$0x3FD2] =	sst s25  }
0xaa: {  	s9 =	sshll.u32 s26, $0x1;
	_ =	strace $0x80000046;
	[dreg:$0x1] =	wrdreg $0xFFFFFFFF  }
0xab: {  	s28 =	simm.s32 $_size_execute0_lowered;
	s7 =	sadd.s32 s7, s9;
	[dreg:$0x0] =	wrdreg $0x0  }
0xac: {  	s9 =	sshll.u32 s28, $0x1;
	[dreg:$0x2] =	wrdreg s7  }
0xad: {  	[dreg:$0x3] =	wrdreg s9  }
0xae: {  	[dreg:$0x4] =	wrdreg $0xC0  }
0xaf: {  	_ =	task [dreg:s11], $0x5FFFF  }
0xb0: {  	[dreg:$0x1] =	wrdreg $0xFFFFFFFF  }
0xb1: {  	[dreg:$0x0] =	wrdreg $0x60  }
0xb2: {  	[dreg:$0x2] =	wrdreg s2  }
0xb3: {  	[dreg:$0x3] =	wrdreg s18  }
0xb4: {  	[dreg:$0x4] =	wrdreg s4  }
0xb5: {  	[dreg:$0x5] =	wrdreg s5  }
0xb6: {  	[dreg:$0x6] =	wrdreg s6  }
0xb7: {  	[dreg:$0x7] =	wrdreg s24  }
0xb8: {  	[dreg:$0x8] =	wrdreg $0x1E0000  }
0xb9: {  	[dreg:$0x9] =	wrdreg $0x1F0000  }
0xba: {  	[dreg:$0xa] =	wrdreg $0x9  }
0xbb: {  	_ =	task.clear_ibuf [dreg:s11], $0xBFFFF;
	_ =	strace $0x90000046  }
0xbc: {  	s29 =	simm.s32 $0x9;
	_ =	strace $0x80000048  }
0xbd: {  	_ =	swait.ge [sflag:s29], $0x1  }
0xbe: {  	[sflag:s29] =	ssyncadd.s32 $0xFFFFFFFF  }
0xbf: {  	_ =	strace $0x90000048  }
0xc0: {  	_ =	sfence  }
0xc1: {  	s30 =	sld [smem:$0x0];
	_ =	sdelay $0x2  }
0xc2: {  	s31 =	sshll.u32 s1, $0xD;
	s1 =	sshrl.u32 s1, $0x2  }
0xc3: {  	s3 =	sand.u32 $0x4000, s31;
	s1 =	sadd.s32 s1, s30  }
0xc4: {  	s0 =	sor.u32 s3, s0;
	s1 =	sshll.u32 s1, $0x11  }
0xc5: {  	s0 =	sor.u32 s1, s0  }
0xc6: {  	s0 =	sadd.s32 $0x8F2B, s0  }
0xc7: {  	[sflag:s0] =	ssyncadd.remote.s32 $0x1  }
0xc8: {  	_ =	sfence.sel $0xFFFF  }
0xc9: {  	[dreg:$0x0] =	wrdreg $0xFFFFFFFF;
	(pc) =	sbr.abs _section_cstart, $3  }
0xca: {  	[dreg:$0x1] =	wrdreg $0xFFFFFFFF  }
0xcb: {  	_ =	task.clear_ibuf [dreg:s11], $0x2FFFF;
	_ =	strace $0x9FFFFFFF  }
0xcc: {  	(tm) =	ssettm $0x7FFFFFFF  }
0xcd: {  	_ =	shalt  }
tec
execute0_lowered:
.L_overlay_start_1:
0x0: {  	(tag) =	ssettag $0x1  }
0x1: {  	s0 =	rddreg [dreg:$0x0]  }
0x2: {  	s3 =	rddreg [dreg:$0x1]  }
0x3: {  	s4 =	rddreg [dreg:$0x2]  }
0x4: {  	s1 =	rddreg [dreg:$0x3]  }
0x5: {  	s2 =	rddreg [dreg:$0x4]  }
0x6: {  	s7 =	rddreg [dreg:$0x5]  }
0x7: {  	s5 =	srdreg.scid;
	s14 =	rddreg [dreg:$0x6]  }
0x8: {  	s26 =	rddreg [dreg:$0x7];
	s10 =	stileid.u32  }
0x9: {  	s6 =	simm.s32 $0x0;
	s28 =	simm.s32 $0x14000;
	s29 =	simm.s32 $0x18000  }
0xa: {  	s30 =	simm.s32 $0x1C000;
	s31 =	simm.s32 $0x1D000;
	s8 =	sand.u32 $0x1, s5  }
0xb: {  	[smem:$0x7FF] =	sst s6;
	s5 =	sshll.u32 s10, $0x8;
	s15 =	sshll.u32 s10, $0x9  }
0xc: {  	s16 =	sshll.u32 s10, $0xC;
	p0 =	sne.s32 s10, $0x0;
	s9 =	sshll.u32 s8, $0x4  }
0xd: {  	_ =	strace $0x80000047;
	s8 =	ssub.s32 $0x2, s8;
	s11 =	sor.u32 s10, s9  }
0xe: {  	s3 =	sadd.s32 s3, s15;
	[dreg:$0x9] =	wrdreg s5;
	s11 =	smul.u32 $0x14000, s11  }
0xf: {  	s9 =	sadd.s32 s9, s7;
	s17 =	sshrl.u32 s8, $0x1;
	[dreg:$0x13] =	wrdreg s3  }
0x10: {  	s8 =	ssub.s32 s8, s17;
	s17 =	sadd.s32 s4, s15;
	s12 =	sshrl.u32 s11, $0x3  }
0x11: {  	s3 =	simm.s32 $0x1;
	[dreg:$0x14] =	wrdreg s17;
	s18 =	sadd.s32 s1, s12  }
0x12: {  	s10 =	simm.s32 $0x19000;
	s19 =	sadd.s32 s2, s12;
	[dreg:$0xa] =	wrdreg s18  }
0x13: {  	s20 =	sadd.s32 s0, s12;
	s13 =	sor.u32 $0x200, s12;
	[dreg:$0xb] =	wrdreg s19  }
0x14: {  	s4 =	simm.s32 $0x10000;
	[dreg:$0xc] =	wrdreg s20;
	s21 =	sadd.s32 s1, s13  }
0x15: {  	s12 =	sor.u32 $0x400, s12;
	s22 =	sadd.s32 s2, s13;
	[dreg:$0xd] =	wrdreg s21  }
0x16: {  	s23 =	sadd.s32 s0, s13;
	s24 =	sadd.s32 s1, s12;
	[dreg:$0xe] =	wrdreg s22  }
0x17: {  	s25 =	sadd.s32 s2, s12;
	s13 =	sadd.s32 s0, s12;
	[dreg:$0xf] =	wrdreg s23  }
0x18: {  	s18 =	sadd.s32 s16, s14;
	s20 =	sor.u32 $0x3000, s11;
	[dreg:$0x10] =	wrdreg s24  }
0x19: {  	s19 =	sadd.s32 $0x600, s9;
	s9 =	simm.s32 $0x15000;
	[dreg:$0x11] =	wrdreg s25  }
0x1a: {  	s12 =	simm.s32 $0x4;
	s14 =	simm.s32 $0x0;
	[dreg:$0x12] =	wrdreg s13  }
0x1b: {  	[dreg:$0x15] =	wrdreg s18;
	s21 =	sadd.s32 $0x4000, s11;
	s22 =	sadd.s32 $0x5000, s11  }
0x1c: {  	s23 =	sadd.s32 $0x6000, s11;
	[dreg:$0x16] =	wrdreg s19;
	s24 =	smax.u32 s8, $0x1  }
0x1d: {  	s25 =	ssub.s32 $0x1000, s5;
	s19 =	simm.s32 $0x12000;
	s8 =	simm.s32 $0x2  }
0x1e: {  	v1 =	vimm.f32 $0.0e+00;
	v2 =	vlaneseq.u32;
	s11 =	simm.s32 $0x3;
	s13 =	simm.s32 $0x5;
	[dreg:$0x17] =	wrdreg s24;
	v0 =	vmov s25  }
.LBB2_1:
0x1f: {  	s5 =	rddreg [dreg:$0xa]  }
0x20: {  	[tilespmem:s19], [sflag:$0x2] =	stream.linear.gather [hbm4b:s5+s6], $0x1000, $0x38;
	[tilespmem:$0x1F100] =	vst v63  }
0x21: {  	s15 =	rddreg [dreg:$0xb];
	s7 =	simm.s32 $0x16000  }
0x22: {  	[tilespmem:s7], [sflag:$0x2] =	stream.linear.gather [hbm4b:s15+s6], $0x1000, $0x38;
	[tilespmem:$0x1F100] =	vst v63  }
0x23: {  	s16 =	rddreg [dreg:$0xc];
	s17 =	simm.s32 $0x1A000  }
0x24: {  	[tilespmem:s17], [sflag:$0x2] =	stream.linear.gather [hbm4b:s16+s6], $0x1000, $0x38;
	[tilespmem:$0x1F100] =	vst v63  }
0x25: {  	s18 =	rddreg [dreg:$0xd];
	s19 =	simm.s32 $0x13000  }
0x26: {  	[tilespmem:s19], [sflag:$0x3] =	stream.linear.gather [hbm4b:s18+s6], $0x1000, $0x38;
	[tilespmem:$0x1F100] =	vst v63  }
0x27: {  	s24 =	rddreg [dreg:$0xe];
	s25 =	simm.s32 $0x17000  }
0x28: {  	[tilespmem:s25], [sflag:$0x3] =	stream.linear.gather [hbm4b:s24+s6], $0x1000, $0x38;
	[tilespmem:$0x1F100] =	vst v63  }
0x29: {  	s7 =	rddreg [dreg:$0xf];
	s15 =	simm.s32 $0x1B000  }
0x2a: {  	[tilespmem:s15], [sflag:$0x3] =	stream.linear.gather [hbm4b:s7+s6], $0x1000, $0x38;
	[tilespmem:$0x1F100] =	vst v63  }
0x2b: {  	s16 =	rddreg [dreg:$0x10]  }
0x2c: {  	[tilespmem:s28], [sflag:$0x4] =	stream.linear.gather [hbm4b:s16+s6], $0x1000, $0x38;
	[tilespmem:$0x1F100] =	vst v63  }
0x2d: {  	s17 =	rddreg [dreg:$0x11]  }
0x2e: {  	[tilespmem:s29], [sflag:$0x4] =	stream.linear.gather [hbm4b:s17+s6], $0x1000, $0x38;
	[tilespmem:$0x1F100] =	vst v63  }
0x2f: {  	s18 =	rddreg [dreg:$0x12]  }
0x30: {  	[tilespmem:s30], [sflag:$0x4] =	stream.linear.gather [hbm4b:s18+s6], $0x1000, $0x38;
	[tilespmem:$0x1F100] =	vst v63  }
0x31: {  	s19 =	rddreg [dreg:$0x13];
	s24 =	simm.s32 $0x11000  }
0x32: {  	[tilespmem:s24], [sflag:$0x1] =	stream.linear.gather [hbm4b:s19+s6], $0x1000, $0x38;
	[tilespmem:$0x1F100] =	vst v63  }
0x33: {  	_ =	swait.ge [sflag:s3], $0x1000  }
0x34: {  	[sflag:s3] =	ssyncset.done $0x0  }
0x35: {  	s25 =	rddreg [dreg:$0x14];
	[sflag:s3] =	ssyncadd.s32 $0xFFFFF000  }
0x36: {  	[tilespmem:s31], [sflag:$0x1] =	stream.linear.gather [hbm4b:s25+s6], $0x1000, $0x38;
	[tilespmem:$0x1F100] =	vst v63  }
0x37: {  	_ =	swait.ge [sflag:s3], $0x1000  }
0x38: {  	[sflag:s3] =	ssyncset.done $0x0  }
0x39: {  	s24 =	simm.s32 $0x0;
	[sflag:s3] =	ssyncadd.s32 $0xFFFFF000  }
0x3a: {  	v3 =	vld [tilespmem:s24+$0x1D000];
	_ =	sdelay $0x4  }
0x3b: {  	v3 =	vmul.f32 $-1.500000000e+00, v3  }
0x3c: {  	s19 =	simm.s32 $0x10  }
0x3d: {  	v4 =	vld [tilespmem:s19+$0x1D000];
	v3 =	vmul.f32 $1.442695020e+00, v3;
	_ =	sdelay $0x1  }
0x3e: {  	s15 =	simm.s32 $0x20;
	(erf) = vpow2.f32 v3  }
0x3f: {  	v3 =	vld [tilespmem:s15+$0x1D000];
	_ =	sdelay $0x1  }
0x40: {  	v4 =	vmul.f32 $-1.500000000e+00, v4;
	_ =	sdelay $0x1  }
0x41: {  	v4 =	vmul.f32 $1.442695020e+00, v4  }
0x42: {  	v3 =	vmul.f32 $-1.500000000e+00, v3  }
0x43: {  	v5 =	vld [tilespmem:s24+$0x11000];
	(erf) = vpow2.f32 v4  }
0x44: {  	s16 =	simm.s32 $0x30;
	v3 =	vmul.f32 $1.442695020e+00, v3  }
0x45: {  	v6 =	vld [tilespmem:s16+$0x1D000];
	v4 =	vpop (erf)  }
0x46: {  	(erf) = vpow2.f32 v3;
	v4 =	vadd.f32 $1.000000000e+00, v4  }
0x47: {  	s17 =	simm.s32 $0x40  }
0x48: {  	v3 =	vmul.f32 $1.442695020e+00, v5;
	(erf) = vrcp.f32 v4;
	v4 =	vld [tilespmem:s17+$0x1D000]  }
0x49: {  	v5 =	vld [tilespmem:s19+$0x11000]  }
0x4a: {  	(erf) = vpow2.f32 v3;
	v3 =	vmul.f32 $-1.500000000e+00, v6;
	_ =	sdelay $0x1  }
0x4b: {  	v6 =	vpop (erf);
	v3 =	vmul.f32 $1.442695020e+00, v3  }
0x4c: {  	v6 =	vadd.f32 $1.000000000e+00, v6;
	v4 =	vmul.f32 $-1.500000000e+00, v4  }
0x4d: {  	(erf) = vpow2.f32 v3;
	v3 =	vmul.f32 $1.442695020e+00, v5  }
0x4e: {  	v5 =	vpop (erf);
	(erf) = vrcp.f32 v6;
	v4 =	vmul.f32 $1.442695020e+00, v4  }
0x4f: {  	s18 =	simm.s32 $0x50;
	(erf) = vpow2.f32 v3;
	v7 =	vadd.f32 $1.000000000e+00, v5;
	v3 =	vld [tilespmem:s15+$0x11000]  }
0x50: {  	v5 =	vld [tilespmem:s18+$0x1D000];
	v6 =	vpop (erf);
	(erf) = vpow2.f32 v4  }
0x51: {  	v6 =	vmul.f32 $1.200000050e+00, v6;
	(erf) = vrcp.f32 v7;
	_ =	sdelay $0x1  }
0x52: {  	s25 =	simm.s32 $0x180;
	v4 =	vpop (erf);
	v6 =	vadd.f32 $-1.000000010e-01, v6  }
.LBB2_2:
0x53: {  	s5 =	sshra.s32 s25, $0x2  }
0x54: {  	v7 =	vmul.f32 $-1.500000000e+00, v5;
	v10 =	vmul.f32 $1.442695020e+00, v3;
	v3 =	vld [tilespmem:s16+$0x11000];
	s7 =	smov.u32 s16;
	s16 =	smov.u32 s17;
	p1 =	sne.s32 s25, $0x3FC0  }
.Ltmp0:
0x55: {  	s25 =	sadd.s32 $0x40, s25;
	v5 =	vld [tilespmem:s5+$0x1D000];
	v9 =	vpop (erf);
	v6 =	vmax.f32 v6, $0.0e+00;
	(pc) =	sbr.rel @p1 .LBB2_2-.Ltmp0, $4  }
0x56: {  	s17 =	smov.u32 s18;
	s18 =	smov.u32 s5;
	v7 =	vmul.f32 $1.442695020e+00, v7;
	(erf) = vpow2.f32 v10;
	v8 =	vpop (erf);
	v6 =	vmin.f32 v6, $1.000000000e+00  }
0x57: {  	v9 =	vadd.f32 $1.000000000e+00, v9;
	v8 =	vmul.f32 $1.200000050e+00, v8;
	v10 =	vmul.f32 v6, v4  }
0x58: {  	(erf) = vpow2.f32 v7  }
0x59: {  	(erf) = vrcp.f32 v9;
	v6 =	vadd.f32 $-1.000000010e-01, v8;
	v4 =	vpop (erf);
	[tilespmem:s24+$0x10000] =	vst v10;
	s24 =	smov.u32 s19;
	s19 =	smov.u32 s15;
	s15 =	smov.u32 s7  }
0x5a: {  	v5 =	vmul.f32 $-1.500000000e+00, v5;
	v3 =	vmul.f32 $1.442695020e+00, v3;
	_ =	sdelay $0x1  }
0x5b: {  	v5 =	vmul.f32 $1.442695020e+00, v5  }
0x5c: {  	v6 =	vmax.f32 v6, $0.0e+00;
	(erf) = vpow2.f32 v3  }
0x5d: {  	v6 =	vmin.f32 v6, $1.000000000e+00;
	v3 =	vpop (erf);
	(erf) = vpow2.f32 v5  }
0x5e: {  	v4 =	vmul.f32 v6, v4;
	v49 =	vpop (erf)  }
0x5f: {  	v50 =	vld [tilespmem:s16+$0x11000];
	v5 =	vmul.f32 $1.200000050e+00, v49  }
0x60: {  	[tilespmem:s24+$0x10000] =	vst v4  }
0x61: {  	v52 =	vld [tilespmem:s17+$0x11000];
	v51 =	vadd.f32 $-1.000000010e-01, v5  }
0x62: {  	v7 =	vpop (erf)  }
0x63: {  	v3 =	vadd.f32 $1.000000000e+00, v3;
	v8 =	vpop (erf);
	v4 =	vmax.f32 v51, $0.0e+00  }
0x64: {  	v6 =	vmul.f32 $1.442695020e+00, v50;
	v9 =	vpop (erf);
	v4 =	vmin.f32 v4, $1.000000000e+00  }
0x65: {  	(erf) = vrcp.f32 v3;
	v3 =	vadd.f32 $1.000000000e+00, v8;
	v53 =	vpop (erf);
	v4 =	vmul.f32 v4, v7  }
0x66: {  	(erf) = vpow2.f32 v6;
	v5 =	vmul.f32 $1.442695020e+00, v52;
	v54 =	vpop (erf)  }
0x67: {  	(erf) = vrcp.f32 v3;
	[tilespmem:s19+$0x10000] =	vst v4;
	v3 =	vadd.f32 $1.000000000e+00, v54  }
0x68: {  	(erf) = vpow2.f32 v5;
	v4 =	vld [tilespmem:s18+$0x11000]  }
0x69: {  	(erf) = vrcp.f32 v3;
	_ =	sdelay $0x3  }
0x6a: {  	v3 =	vmul.f32 $1.442695020e+00, v4  }
0x6b: {  	v55 =	vpop (erf)  }
0x6c: {  	v56 =	vpop (erf);
	(erf) = vpow2.f32 v3  }
0x6d: {  	v3 =	vmul.f32 $1.200000050e+00, v9;
	v57 =	vpop (erf)  }
0x6e: {  	v4 =	vmul.f32 $1.200000050e+00, v55;
	v58 =	vpop (erf)  }
0x6f: {  	v6 =	vmul.f32 $1.200000050e+00, v57;
	v3 =	vadd.f32 $-1.000000010e-01, v3;
	v59 =	vpop (erf)  }
0x70: {  	v4 =	vadd.f32 $-1.000000010e-01, v4;
	v9 =	vmul.f32 $1.200000050e+00, v59  }
0x71: {  	v6 =	vadd.f32 $-1.000000010e-01, v6;
	v3 =	vmax.f32 v3, $0.0e+00  }
0x72: {  	v4 =	vmax.f32 v4, $0.0e+00;
	v3 =	vmin.f32 v3, $1.000000000e+00;
	v9 =	vadd.f32 $-1.000000010e-01, v9  }
0x73: {  	v4 =	vmin.f32 v4, $1.000000000e+00;
	v6 =	vmax.f32 v6, $0.0e+00;
	v3 =	vmul.f32 v3, v53  }
0x74: {  	v4 =	vmul.f32 v4, v56;
	v60 =	vmin.f32 v6, $1.000000000e+00;
	v61 =	vmax.f32 v9, $0.0e+00  }
0x75: {  	[tilespmem:s15+$0x10000] =	vst v3;
	v3 =	vmul.f32 v60, v58;
	v62 =	vpop (erf);
	v6 =	vmin.f32 v61, $1.000000000e+00  }
0x76: {  	[tilespmem:s16+$0x10000] =	vst v4;
	v63 =	vmul.f32 v6, v62  }
0x77: {  	[tilespmem:s17+$0x10000] =	vst v3  }
0x78: {  	s5 =	rddreg [dreg:$0x15];
	s24 =	simm.s32 $0x6;
	[tilespmem:s18+$0x10000] =	vst v63  }
0x79: {  	[spmem:s5] =	stream.linear.scatter [tilespmem:s4], [sflag:$0x6], $0x1000, $0x38;
	[tilespmem:$0x1F100] =	vst v63  }
0x7a: {  	_ =	swait.ge [sflag:s24], $0x1000  }
0x7b: {  	[sflag:s24] =	ssyncset.done $0x0  }
0x7c: {  	[sflag:s24] =	ssyncadd.s32 $0xFFFFF000  }
0x7d: {  	s25 =	simm.s32 $0x0;
	[bflag:$0x0] =	sbarrier.arrive $0xFFFF  }
0x7e: {  	s15 =	simm.s32 $0x40;
	s16 =	simm.s32 $0x0;
	s7 =	rddreg [dreg:$0x6]  }
0x7f: {  	[tilespmem:s25], [sflag:$0x1] =	stream.linear.gather [spmem:s7], $0x10000, $0x38;
	[tilespmem:$0x1F100] =	vst v63  }
.LBB2_4:
0x80: {  	p1 =	sne.s32 s15, $0x3FC0;
	[tilespmem:s16+$0x10000] =	vst v1;
	s5 =	smov.u32 s15;
	s15 =	sadd.s32 $0x40, s15  }
.Ltmp1:
0x81: {  	(pc) =	sbr.rel @p1 .LBB2_4-.Ltmp1, $2  }
0x82: {  	_ =	sdelay $0x2  }
0x83: {  	s16 =	sshra.s32 s5, $0x2  }
0x84: {  	[tilespmem:s16+$0x10000] =	vst v1;
	s5 =	simm.s32 @!p0 $0x10000  }
0x85: {  	[spmem:s26] =	stream.linear.scatter @!p0 [tilespmem:s5], [sflag:$0x6], $0x1000, $0x38;
	[tilespmem:$0x1F100] =	vst v63  }
0x86: {  	s5 =	simm.s32 @!p0 $0x6  }
0x87: {  	_ =	swait.ge @!p0 [sflag:s5], $0x1000  }
0x88: {  	[sflag:s5] =	ssyncset.done @!p0 $0x0  }
0x89: {  	[sflag:s5] =	ssyncadd.s32 @!p0 $0xFFFFF000  }
0x8a: {  	_ =	swait.ge [sflag:s3], $0x10000  }
0x8b: {  	[sflag:s3] =	ssyncset.done $0x0  }
0x8c: {  	s15 =	simm.s32 $0x0;
	[sflag:s3] =	ssyncadd.s32 $0xFFFF0000  }
.LBB2_6:
0x8d: {  	_ =	swait.ge [sflag:s8], $0x1000  }
0x8e: {  	[sflag:s8] =	ssyncset.done $0x0  }
0x8f: {  	[sflag:s8] =	ssyncadd.s32 $0xFFFFF000  }
0x90: {  	_ =	swait.ge [sflag:s8], $0x1000  }
0x91: {  	[sflag:s8] =	ssyncset.done $0x0  }
0x92: {  	[sflag:s8] =	ssyncadd.s32 $0xFFFFF000  }
0x93: {  	_ =	swait.ge [sflag:s8], $0x1000  }
0x94: {  	[sflag:s8] =	ssyncset.done $0x0  }
0x95: {  	s5 =	simm.s32 $0x16080;
	[sflag:s8] =	ssyncadd.s32 $0xFFFFF000  }
0x96: {  	v3 =	vld [tilespmem:s5+$0x70]  }
0x97: {  	v4 =	vld [tilespmem:s5+$0xFFFFFF90]  }
0x98: {  	v5 =	vld [tilespmem:s5+$0xFFFFFFA0]  }
0x99: {  	s16 =	simm.s32 $0x12080;
	v6 =	vld [tilespmem:s5+$0xFFFFFFB0]  }
0x9a: {  	v7 =	vld [tilespmem:s16+$0x70]  }
0x9b: {  	v8 =	vld [tilespmem:s5+$0xFFFFFFC0]  }
0x9c: {  	v9 =	vld [tilespmem:s5+$0xFFFFFFD0]  }
0x9d: {  	s17 =	simm.s32 $0x1A080;
	v10 =	vld [tilespmem:s5+$0xFFFFFFE0]  }
0x9e: {  	v12 =	vld [tilespmem:s17+$0x70]  }
0x9f: {  	v13 =	vld [tilespmem:s5+$0xFFFFFFF0]  }
0xa0: {  	v14 =	vld [tilespmem:s5+$0x0]  }
0xa1: {  	v50 =	vld [tilespmem:s5+$0x10]  }
0xa2: {  	v15 =	vld [tilespmem:s5+$0x20]  }
0xa3: {  	v16 =	vld [tilespmem:s5+$0x30]  }
0xa4: {  	v51 =	vld [tilespmem:s5+$0x40]  }
0xa5: {  	v52 =	vld [tilespmem:s5+$0x60]  }
0xa6: {  	v17 =	vld [tilespmem:s5+$0xFFFFFF80]  }
0xa7: {  	v18 =	vld [tilespmem:s16+$0xFFFFFF80]  }
0xa8: {  	v19 =	vld [tilespmem:s16+$0xFFFFFF90]  }
0xa9: {  	v20 =	vld [tilespmem:s16+$0xFFFFFFA0]  }
0xaa: {  	v21 =	vld [tilespmem:s16+$0xFFFFFFB0]  }
0xab: {  	v22 =	vld [tilespmem:s16+$0xFFFFFFC0]  }
0xac: {  	v23 =	vld [tilespmem:s16+$0xFFFFFFD0]  }
0xad: {  	v24 =	vld [tilespmem:s16+$0xFFFFFFE0]  }
0xae: {  	v25 =	vld [tilespmem:s16+$0xFFFFFFF0]  }
0xaf: {  	v26 =	vld [tilespmem:s16+$0x0]  }
0xb0: {  	v27 =	vld [tilespmem:s16+$0x10]  }
0xb1: {  	v28 =	vld [tilespmem:s16+$0x20]  }
0xb2: {  	v29 =	vld [tilespmem:s16+$0x30]  }
0xb3: {  	v30 =	vld [tilespmem:s16+$0x40]  }
0xb4: {  	v31 =	vld [tilespmem:s16+$0x50]  }
0xb5: {  	v32 =	vld [tilespmem:s16+$0x60]  }
0xb6: {  	v34 =	vld [tilespmem:s17+$0xFFFFFF80]  }
0xb7: {  	v36 =	vld [tilespmem:s17+$0xFFFFFF90]  }
0xb8: {  	v38 =	vld [tilespmem:s17+$0xFFFFFFA0]  }
0xb9: {  	v40 =	vld [tilespmem:s17+$0xFFFFFFB0]  }
0xba: {  	v53 =	vld [tilespmem:s17+$0xFFFFFFC0]  }
0xbb: {  	v43 =	vld [tilespmem:s17+$0xFFFFFFD0]  }
0xbc: {  	v44 =	vld [tilespmem:s17+$0xFFFFFFE0]  }
0xbd: {  	v46 =	vld [tilespmem:s17+$0x0]  }
0xbe: {  	v62 =	vld [tilespmem:s17+$0x30]  }
0xbf: {  	v48 =	vld [tilespmem:s17+$0x40]  }
0xc0: {  	v47 =	vadd.s32 v0, v26;
	v56 =	vand.u32 $0x7F, v26;
	v26 =	vld [tilespmem:s17+$0x10]  }
0xc1: {  	v58 =	vand.u32 $0xF80, v47;
	v47 =	vld [tilespmem:s17+$0x20]  }
0xc2: {  	v3 =	vld.idx.msk [tilespmem:v3+s6+$0x0], $0xffff  }
0xc3: {  	v17 =	vld.idx.msk [tilespmem:v17+s6+$0x0], $0xffff  }
0xc4: {  	v4 =	vld.idx.msk [tilespmem:v4+s6+$0x0], $0xffff  }
0xc5: {  	v5 =	vld.idx.msk [tilespmem:v5+s6+$0x0], $0xffff  }
0xc6: {  	v6 =	vld.idx.msk [tilespmem:v6+s6+$0x0], $0xffff  }
0xc7: {  	v11 =	vadd.s32 v0, v7;
	v8 =	vld.idx.msk [tilespmem:v8+s6+$0x0], $0xffff  }
0xc8: {  	v7 =	vand.u32 $0x7F, v7;
	v33 =	vadd.s32 v0, v18;
	v18 =	vand.u32 $0x7F, v18;
	v9 =	vld.idx.msk [tilespmem:v9+s6+$0x0], $0xffff  }
0xc9: {  	v35 =	vadd.s32 v0, v19;
	v19 =	vand.u32 $0x7F, v19;
	v37 =	vadd.s32 v0, v20;
	v10 =	vld.idx.msk [tilespmem:v10+s6+$0x0], $0xffff  }
0xca: {  	v20 =	vand.u32 $0x7F, v20;
	v39 =	vadd.s32 v0, v21;
	v21 =	vand.u32 $0x7F, v21;
	v13 =	vld.idx.msk [tilespmem:v13+s6+$0x0], $0xffff  }
0xcb: {  	v41 =	vadd.s32 v0, v22;
	v22 =	vand.u32 $0x7F, v22;
	v11 =	vand.u32 $0xF80, v11;
	v14 =	vld.idx.msk [tilespmem:v14+s6+$0x0], $0xffff  }
0xcc: {  	v42 =	vadd.s32 v0, v23;
	v23 =	vand.u32 $0x7F, v23;
	v7 =	vor.u32 v7, v11;
	v11 =	vld.idx.msk [tilespmem:v50+s6+$0x0], $0xffff  }
0xcd: {  	v45 =	vadd.s32 v0, v24;
	v24 =	vand.u32 $0x7F, v24;
	v55 =	vadd.s32 v0, v25;
	v15 =	vld.idx.msk [tilespmem:v15+s6+$0x0], $0xffff  }
0xce: {  	v25 =	vand.u32 $0x7F, v25;
	v57 =	vadd.s32 v0, v27;
	v27 =	vand.u32 $0x7F, v27;
	v16 =	vld.idx.msk [tilespmem:v16+s6+$0x0], $0xffff  }
0xcf: {  	v59 =	vadd.s32 v0, v28;
	v28 =	vand.u32 $0x7F, v28;
	v33 =	vand.u32 $0xF80, v33;
	v50 =	vld [tilespmem:s17+$0x50]  }
0xd0: {  	v35 =	vand.u32 $0xF80, v35;
	v18 =	vor.u32 v18, v33;
	v3 =	vmul.f32 v12, v3;
	v12 =	vld.idx.msk [tilespmem:v51+s6+$0x0], $0xffff  }
0xd1: {  	v61 =	vadd.s32 v0, v29;
	v19 =	vor.u32 v19, v35;
	v17 =	vmul.f32 v34, v17;
	v34 =	vld [tilespmem:s17+$0xFFFFFFF0]  }
0xd2: {  	v29 =	vand.u32 $0x7F, v29;
	v63 =	vadd.s32 v0, v30;
	v37 =	vand.u32 $0xF80, v37;
	[tilespmem:v7+s4+$0x0] =	vst.idx.add.f32.msk $0xffff, v3  }
0xd3: {  	v49 =	vadd.s32 v0, v31;
	v39 =	vand.u32 $0xF80, v39;
	v20 =	vor.u32 v20, v37;
	v3 =	vld [tilespmem:s5+$0x50]  }
0xd4: {  	v41 =	vand.u32 $0xF80, v41;
	v21 =	vor.u32 v21, v39;
	v4 =	vmul.f32 v36, v4;
	v7 =	vld.idx.msk [tilespmem:v52+s6+$0x0], $0xffff  }
0xd5: {  	v42 =	vand.u32 $0xF80, v42;
	v54 =	vand.u32 $0xF80, v45;
	v22 =	vor.u32 v22, v41;
	[tilespmem:v18+s4+$0x0] =	vst.idx.add.f32.msk $0xffff, v17  }
0xd6: {  	v45 =	vand.u32 $0xF80, v55;
	v23 =	vor.u32 v23, v42;
	v5 =	vmul.f32 v38, v5;
	[tilespmem:v19+s4+$0x0] =	vst.idx.add.f32.msk $0xffff, v4  }
0xd7: {  	v24 =	vor.u32 v24, v54;
	v25 =	vor.u32 v25, v45;
	v6 =	vmul.f32 v40, v6;
	v52 =	vld [tilespmem:s17+$0x60]  }
0xd8: {  	v60 =	vand.u32 $0xF80, v59;
	v51 =	vadd.s32 v0, v32;
	v8 =	vmul.f32 v53, v8;
	[tilespmem:v20+s4+$0x0] =	vst.idx.add.f32.msk $0xffff, v5  }
0xd9: {  	v55 =	vand.u32 $0x7F, v31;
	v9 =	vmul.f32 v43, v9;
	v10 =	vmul.f32 v44, v10;
	[tilespmem:v21+s4+$0x0] =	vst.idx.add.f32.msk $0xffff, v6  }
0xda: {  	v54 =	vand.u32 $0xF80, v63;
	v14 =	vmul.f32 v46, v14;
	v17 =	vor.u32 v56, v58;
	[tilespmem:v22+s4+$0x0] =	vst.idx.add.f32.msk $0xffff, v8  }
0xdb: {  	v53 =	vand.u32 $0x7F, v30;
	v4 =	vor.u32 v28, v60;
	[tilespmem:v23+s4+$0x0] =	vst.idx.add.f32.msk $0xffff, v9;
	v13 =	vmul.f32 v34, v13  }
0xdc: {  	v59 =	vand.u32 $0xF80, v51;
	v18 =	vand.u32 $0xF80, v57;
	[tilespmem:v24+s4+$0x0] =	vst.idx.add.f32.msk $0xffff, v10;
	v5 =	vor.u32 v53, v54  }
0xdd: {  	v19 =	vand.u32 $0xF80, v61;
	v57 =	vand.u32 $0x7F, v32;
	v18 =	vor.u32 v27, v18;
	[tilespmem:v25+s4+$0x0] =	vst.idx.add.f32.msk $0xffff, v13  }
0xde: {  	v60 =	vmul.f32 v47, v15;
	v61 =	vmul.f32 v62, v16;
	v19 =	vor.u32 v29, v19;
	v3 =	vld.idx.msk [tilespmem:v3+s6+$0x0], $0xffff  }
0xdf: {  	v56 =	vand.u32 $0xF80, v49;
	v10 =	vor.u32 v57, v59;
	v62 =	vmul.f32 v48, v12;
	[tilespmem:v17+s4+$0x0] =	vst.idx.add.f32.msk $0xffff, v14  }
0xe0: {  	v58 =	vmul.f32 v26, v11;
	v8 =	vor.u32 v55, v56;
	[tilespmem:v4+s4+$0x0] =	vst.idx.add.f32.msk $0xffff, v60  }
0xe1: {  	[tilespmem:v5+s4+$0x0] =	vst.idx.add.f32.msk $0xffff, v62  }
0xe2: {  	v63 =	vmul.f32 v52, v7;
	[tilespmem:v18+s4+$0x0] =	vst.idx.add.f32.msk $0xffff, v58  }
0xe3: {  	[tilespmem:v19+s4+$0x0] =	vst.idx.add.f32.msk $0xffff, v61;
	v3 =	vmul.f32 v50, v3  }
0xe4: {  	[tilespmem:v10+s4+$0x0] =	vst.idx.add.f32.msk $0xffff, v63  }
0xe5: {  	s18 =	simm.s32 $0x0;
	s19 =	simm.s32 $0x16180;
	[tilespmem:v8+s4+$0x0] =	vst.idx.add.f32.msk $0xffff, v3  }
.LBB2_7:
0xe6: {  	v3 =	vld [tilespmem:s19+$0x70];
	s18 =	sadd.s32 $0x10, s18  }
0xe7: {  	v4 =	vld [tilespmem:s19+$0xFFFFFF90];
	p1 =	slt.u32 s18, $0xF0  }
0xe8: {  	v5 =	vld [tilespmem:s19+$0xFFFFFFA0]  }
0xe9: {  	s16 =	sadd.s32 $0x100, s16;
	v6 =	vld [tilespmem:s19+$0xFFFFFFB0]  }
0xea: {  	v7 =	vld [tilespmem:s16+$0x70]  }
0xeb: {  	v8 =	vld [tilespmem:s19+$0xFFFFFFC0]  }
0xec: {  	v9 =	vld [tilespmem:s19+$0xFFFFFFD0]  }
0xed: {  	v10 =	vld [tilespmem:s19+$0xFFFFFFE0]  }
0xee: {  	s17 =	sadd.s32 $0x100, s17;
	v3 =	vld.idx.msk [tilespmem:v3+s6+$0x0], $0xffff  }
0xef: {  	v11 =	vadd.s32 v0, v7;
	v12 =	vld [tilespmem:s17+$0x70]  }
0xf0: {  	v7 =	vand.u32 $0x7F, v7;
	v13 =	vld [tilespmem:s19+$0xFFFFFFF0];
	v11 =	vand.u32 $0xF80, v11  }
0xf1: {  	v14 =	vld [tilespmem:s19+$0x0];
	v7 =	vor.u32 v7, v11  }
0xf2: {  	v11 =	vld [tilespmem:s19+$0x10]  }
0xf3: {  	v15 =	vld [tilespmem:s19+$0x20]  }
0xf4: {  	v16 =	vld [tilespmem:s19+$0x30];
	v3 =	vmul.f32 v12, v3  }
0xf5: {  	v12 =	vld [tilespmem:s19+$0x40]  }
0xf6: {  	[tilespmem:v7+s4+$0x0] =	vst.idx.add.f32.msk $0xffff, v3  }
0xf7: {  	v3 =	vld [tilespmem:s19+$0x50]  }
0xf8: {  	v7 =	vld [tilespmem:s19+$0x60]  }
0xf9: {  	v17 =	vld [tilespmem:s19+$0xFFFFFF80]  }
0xfa: {  	v18 =	vld [tilespmem:s16+$0xFFFFFF80]  }
0xfb: {  	v19 =	vld [tilespmem:s16+$0xFFFFFF90]  }
0xfc: {  	v20 =	vld [tilespmem:s16+$0xFFFFFFA0]  }
0xfd: {  	v21 =	vld [tilespmem:s16+$0xFFFFFFB0]  }
0xfe: {  	v22 =	vld [tilespmem:s16+$0xFFFFFFC0]  }
0xff: {  	v23 =	vadd.s32 v0, v18;
	v18 =	vand.u32 $0x7F, v18;
	v24 =	vld [tilespmem:s16+$0xFFFFFFD0]  }
0x100: {  	v23 =	vand.u32 $0xF80, v23;
	v25 =	vadd.s32 v0, v19;
	v19 =	vand.u32 $0x7F, v19;
	v26 =	vld [tilespmem:s16+$0xFFFFFFE0]  }
0x101: {  	v25 =	vand.u32 $0xF80, v25;
	v27 =	vadd.s32 v0, v20;
	v20 =	vand.u32 $0x7F, v20;
	v28 =	vld [tilespmem:s16+$0xFFFFFFF0]  }
0x102: {  	v27 =	vand.u32 $0xF80, v27;
	v29 =	vadd.s32 v0, v21;
	v21 =	vand.u32 $0x7F, v21;
	v30 =	vld [tilespmem:s16+$0x0]  }
0x103: {  	v29 =	vand.u32 $0xF80, v29;
	v31 =	vadd.s32 v0, v22;
	v22 =	vand.u32 $0x7F, v22;
	v32 =	vld [tilespmem:s16+$0x10]  }
0x104: {  	v31 =	vand.u32 $0xF80, v31;
	v33 =	vadd.s32 v0, v24;
	v24 =	vand.u32 $0x7F, v24;
	v34 =	vld [tilespmem:s16+$0x20]  }
0x105: {  	v33 =	vand.u32 $0xF80, v33;
	v35 =	vadd.s32 v0, v26;
	v26 =	vand.u32 $0x7F, v26;
	v36 =	vld [tilespmem:s16+$0x30]  }
0x106: {  	v35 =	vand.u32 $0xF80, v35;
	v37 =	vadd.s32 v0, v28;
	v28 =	vand.u32 $0x7F, v28;
	v38 =	vld [tilespmem:s16+$0x40]  }
0x107: {  	v37 =	vand.u32 $0xF80, v37;
	v39 =	vadd.s32 v0, v30;
	v30 =	vand.u32 $0x7F, v30;
	v40 =	vld [tilespmem:s16+$0x50]  }
0x108: {  	v39 =	vand.u32 $0xF80, v39;
	v41 =	vadd.s32 v0, v32;
	v32 =	vand.u32 $0x7F, v32;
	v42 =	vld [tilespmem:s16+$0x60]  }
0x109: {  	v17 =	vld.idx.msk [tilespmem:v17+s6+$0x0], $0xffff;
	v41 =	vand.u32 $0xF80, v41;
	v43 =	vadd.s32 v0, v34;
	v34 =	vand.u32 $0x7F, v34  }
0x10a: {  	v4 =	vld.idx.msk [tilespmem:v4+s6+$0x0], $0xffff;
	v43 =	vand.u32 $0xF80, v43;
	v44 =	vadd.s32 v0, v36;
	v36 =	vand.u32 $0x7F, v36  }
0x10b: {  	v5 =	vld.idx.msk [tilespmem:v5+s6+$0x0], $0xffff;
	v44 =	vand.u32 $0xF80, v44;
	v45 =	vadd.s32 v0, v38;
	v38 =	vand.u32 $0x7F, v38  }
0x10c: {  	v6 =	vld.idx.msk [tilespmem:v6+s6+$0x0], $0xffff;
	v45 =	vand.u32 $0xF80, v45;
	v46 =	vadd.s32 v0, v40;
	v40 =	vand.u32 $0x7F, v40  }
0x10d: {  	v8 =	vld.idx.msk [tilespmem:v8+s6+$0x0], $0xffff;
	v46 =	vand.u32 $0xF80, v46;
	v47 =	vadd.s32 v0, v42;
	v42 =	vand.u32 $0x7F, v42  }
0x10e: {  	v18 =	vor.u32 v18, v23;
	v19 =	vor.u32 v19, v25;
	v9 =	vld.idx.msk [tilespmem:v9+s6+$0x0], $0xffff;
	v23 =	vand.u32 $0xF80, v47  }
0x10f: {  	v20 =	vor.u32 v20, v27;
	v21 =	vor.u32 v21, v29;
	v22 =	vor.u32 v22, v31;
	v10 =	vld.idx.msk [tilespmem:v10+s6+$0x0], $0xffff  }
0x110: {  	v24 =	vor.u32 v24, v33;
	v25 =	vor.u32 v26, v35;
	v26 =	vor.u32 v28, v37;
	v13 =	vld.idx.msk [tilespmem:v13+s6+$0x0], $0xffff  }
0x111: {  	v27 =	vor.u32 v30, v39;
	v28 =	vor.u32 v32, v41;
	v29 =	vor.u32 v34, v43;
	v14 =	vld.idx.msk [tilespmem:v14+s6+$0x0], $0xffff  }
0x112: {  	v30 =	vor.u32 v36, v44;
	v31 =	vor.u32 v38, v45;
	v32 =	vor.u32 v40, v46;
	v11 =	vld.idx.msk [tilespmem:v11+s6+$0x0], $0xffff  }
0x113: {  	v23 =	vor.u32 v42, v23;
	v15 =	vld.idx.msk [tilespmem:v15+s6+$0x0], $0xffff  }
0x114: {  	v16 =	vld.idx.msk [tilespmem:v16+s6+$0x0], $0xffff  }
0x115: {  	v12 =	vld.idx.msk [tilespmem:v12+s6+$0x0], $0xffff  }
0x116: {  	v3 =	vld.idx.msk [tilespmem:v3+s6+$0x0], $0xffff  }
0x117: {  	v7 =	vld.idx.msk [tilespmem:v7+s6+$0x0], $0xffff  }
0x118: {  	v33 =	vld [tilespmem:s17+$0xFFFFFF80]  }
0x119: {  	v34 =	vld [tilespmem:s17+$0xFFFFFF90]  }
0x11a: {  	v35 =	vld [tilespmem:s17+$0xFFFFFFA0]  }
0x11b: {  	v36 =	vld [tilespmem:s17+$0xFFFFFFB0]  }
0x11c: {  	v37 =	vld [tilespmem:s17+$0xFFFFFFC0]  }
0x11d: {  	v17 =	vmul.f32 v33, v17;
	v33 =	vld [tilespmem:s17+$0xFFFFFFD0]  }
0x11e: {  	v4 =	vmul.f32 v34, v4;
	v34 =	vld [tilespmem:s17+$0xFFFFFFE0]  }
0x11f: {  	v5 =	vmul.f32 v35, v5;
	v35 =	vld [tilespmem:s17+$0xFFFFFFF0]  }
0x120: {  	v6 =	vmul.f32 v36, v6;
	v36 =	vld [tilespmem:s17+$0x0]  }
0x121: {  	v8 =	vmul.f32 v37, v8;
	v37 =	vld [tilespmem:s17+$0x10]  }
0x122: {  	v9 =	vmul.f32 v33, v9;
	v33 =	vld [tilespmem:s17+$0x20]  }
0x123: {  	v10 =	vmul.f32 v34, v10;
	v34 =	vld [tilespmem:s17+$0x30]  }
0x124: {  	v13 =	vmul.f32 v35, v13;
	v35 =	vld [tilespmem:s17+$0x40]  }
0x125: {  	v14 =	vmul.f32 v36, v14;
	v36 =	vld [tilespmem:s17+$0x50]  }
0x126: {  	v11 =	vmul.f32 v37, v11;
	v37 =	vld [tilespmem:s17+$0x60]  }
0x127: {  	[tilespmem:v18+s4+$0x0] =	vst.idx.add.f32.msk $0xffff, v17;
	v15 =	vmul.f32 v33, v15  }
0x128: {  	[tilespmem:v19+s4+$0x0] =	vst.idx.add.f32.msk $0xffff, v4;
	v4 =	vmul.f32 v34, v16  }
0x129: {  	[tilespmem:v20+s4+$0x0] =	vst.idx.add.f32.msk $0xffff, v5;
	v5 =	vmul.f32 v35, v12  }
0x12a: {  	[tilespmem:v21+s4+$0x0] =	vst.idx.add.f32.msk $0xffff, v6;
	v3 =	vmul.f32 v36, v3  }
0x12b: {  	[tilespmem:v22+s4+$0x0] =	vst.idx.add.f32.msk $0xffff, v8;
	v6 =	vmul.f32 v37, v7  }
0x12c: {  	[tilespmem:v24+s4+$0x0] =	vst.idx.add.f32.msk $0xffff, v9  }
0x12d: {  	[tilespmem:v25+s4+$0x0] =	vst.idx.add.f32.msk $0xffff, v10  }
0x12e: {  	[tilespmem:v26+s4+$0x0] =	vst.idx.add.f32.msk $0xffff, v13  }
0x12f: {  	[tilespmem:v27+s4+$0x0] =	vst.idx.add.f32.msk $0xffff, v14  }
0x130: {  	[tilespmem:v28+s4+$0x0] =	vst.idx.add.f32.msk $0xffff, v11  }
.Ltmp2:
0x131: {  	[tilespmem:v29+s4+$0x0] =	vst.idx.add.f32.msk $0xffff, v15;
	(pc) =	sbr.rel @p1 .LBB2_7-.Ltmp2, $4  }
0x132: {  	[tilespmem:v30+s4+$0x0] =	vst.idx.add.f32.msk $0xffff, v4  }
0x133: {  	[tilespmem:v31+s4+$0x0] =	vst.idx.add.f32.msk $0xffff, v5  }
0x134: {  	[tilespmem:v32+s4+$0x0] =	vst.idx.add.f32.msk $0xffff, v3  }
0x135: {  	s19 =	sadd.s32 $0x100, s19;
	[tilespmem:v23+s4+$0x0] =	vst.idx.add.f32.msk $0xffff, v6  }
0x136: {  	s16 =	sshll.u32 s15, $0xE  }
0x137: {  	s5 =	sadd.s32 s16, s20  }
0x138: {  	s5 =	sshrl.u32 s5, $0x3  }
0x139: {  	s7 =	sadd.s32 s1, s5  }
0x13a: {  	[tilespmem:s9], [sflag:$0x5] =	stream.linear.gather [hbm4b:s7+s6], $0x1000, $0x38;
	[tilespmem:$0x1F100] =	vst v63  }
0x13b: {  	s24 =	sadd.s32 s2, s5  }
0x13c: {  	[tilespmem:s10], [sflag:$0x5] =	stream.linear.gather [hbm4b:s24+s6], $0x1000, $0x38;
	[tilespmem:$0x1F100] =	vst v63  }
0x13d: {  	s5 =	sadd.s32 s0, s5  }
0x13e: {  	[tilespmem:s31], [sflag:$0x5] =	stream.linear.gather [hbm4b:s5+s6], $0x1000, $0x38;
	[tilespmem:$0x1F100] =	vst v63  }
0x13f: {  	_ =	swait.ge [sflag:s11], $0x1000  }
0x140: {  	[sflag:s11] =	ssyncset.done $0x0  }
0x141: {  	[sflag:s11] =	ssyncadd.s32 $0xFFFFF000  }
0x142: {  	_ =	swait.ge [sflag:s11], $0x1000  }
0x143: {  	[sflag:s11] =	ssyncset.done $0x0  }
0x144: {  	[sflag:s11] =	ssyncadd.s32 $0xFFFFF000  }
0x145: {  	_ =	swait.ge [sflag:s11], $0x1000  }
0x146: {  	[sflag:s11] =	ssyncset.done $0x0  }
0x147: {  	s25 =	simm.s32 $0x17080;
	[sflag:s11] =	ssyncadd.s32 $0xFFFFF000  }
0x148: {  	v3 =	vld [tilespmem:s25+$0x70]  }
0x149: {  	v4 =	vld [tilespmem:s25+$0xFFFFFF90]  }
0x14a: {  	v5 =	vld [tilespmem:s25+$0xFFFFFFA0]  }
0x14b: {  	s17 =	simm.s32 $0x13080;
	v6 =	vld [tilespmem:s25+$0xFFFFFFB0]  }
0x14c: {  	v7 =	vld [tilespmem:s17+$0x70]  }
0x14d: {  	v8 =	vld [tilespmem:s25+$0xFFFFFFC0]  }
0x14e: {  	v9 =	vld [tilespmem:s25+$0xFFFFFFD0]  }
0x14f: {  	s18 =	simm.s32 $0x1B080;
	v10 =	vld [tilespmem:s25+$0xFFFFFFE0]  }
0x150: {  	v12 =	vld [tilespmem:s18+$0x70]  }
0x151: {  	v13 =	vld [tilespmem:s25+$0xFFFFFFF0]  }
0x152: {  	v14 =	vld [tilespmem:s25+$0x0]  }
0x153: {  	v50 =	vld [tilespmem:s25+$0x10]  }
0x154: {  	v15 =	vld [tilespmem:s25+$0x20]  }
0x155: {  	v16 =	vld [tilespmem:s25+$0x30]  }
0x156: {  	v51 =	vld [tilespmem:s25+$0x40]  }
0x157: {  	v52 =	vld [tilespmem:s25+$0x60]  }
0x158: {  	v17 =	vld [tilespmem:s25+$0xFFFFFF80]  }
0x159: {  	v18 =	vld [tilespmem:s17+$0xFFFFFF80]  }
0x15a: {  	v19 =	vld [tilespmem:s17+$0xFFFFFF90]  }
0x15b: {  	v20 =	vld [tilespmem:s17+$0xFFFFFFA0]  }
0x15c: {  	v21 =	vld [tilespmem:s17+$0xFFFFFFB0]  }
0x15d: {  	v22 =	vld [tilespmem:s17+$0xFFFFFFC0]  }
0x15e: {  	v23 =	vld [tilespmem:s17+$0xFFFFFFD0]  }
0x15f: {  	v24 =	vld [tilespmem:s17+$0xFFFFFFE0]  }
0x160: {  	v25 =	vld [tilespmem:s17+$0xFFFFFFF0]  }
0x161: {  	v26 =	vld [tilespmem:s17+$0x0]  }
0x162: {  	v27 =	vld [tilespmem:s17+$0x10]  }
0x163: {  	v28 =	vld [tilespmem:s17+$0x20]  }
0x164: {  	v29 =	vld [tilespmem:s17+$0x30]  }
0x165: {  	v30 =	vld [tilespmem:s17+$0x40]  }
0x166: {  	v31 =	vld [tilespmem:s17+$0x50]  }
0x167: {  	v32 =	vld [tilespmem:s17+$0x60]  }
0x168: {  	v34 =	vld [tilespmem:s18+$0xFFFFFF80]  }
0x169: {  	v36 =	vld [tilespmem:s18+$0xFFFFFF90]  }
0x16a: {  	v38 =	vld [tilespmem:s18+$0xFFFFFFA0]  }
0x16b: {  	v40 =	vld [tilespmem:s18+$0xFFFFFFB0]  }
0x16c: {  	v53 =	vld [tilespmem:s18+$0xFFFFFFC0]  }
0x16d: {  	v43 =	vld [tilespmem:s18+$0xFFFFFFD0]  }
0x16e: {  	v44 =	vld [tilespmem:s18+$0xFFFFFFE0]  }
0x16f: {  	v46 =	vld [tilespmem:s18+$0x0]  }
0x170: {  	v62 =	vld [tilespmem:s18+$0x30]  }
0x171: {  	v48 =	vld [tilespmem:s18+$0x40]  }
0x172: {  	v47 =	vadd.s32 v0, v26;
	v56 =	vand.u32 $0x7F, v26;
	v26 =	vld [tilespmem:s18+$0x10]  }
0x173: {  	v58 =	vand.u32 $0xF80, v47;
	v47 =	vld [tilespmem:s18+$0x20]  }
0x174: {  	v3 =	vld.idx.msk [tilespmem:v3+s6+$0x0], $0xffff  }
0x175: {  	v17 =	vld.idx.msk [tilespmem:v17+s6+$0x0], $0xffff  }
0x176: {  	v4 =	vld.idx.msk [tilespmem:v4+s6+$0x0], $0xffff  }
0x177: {  	v5 =	vld.idx.msk [tilespmem:v5+s6+$0x0], $0xffff  }
0x178: {  	v6 =	vld.idx.msk [tilespmem:v6+s6+$0x0], $0xffff  }
0x179: {  	v11 =	vadd.s32 v0, v7;
	v8 =	vld.idx.msk [tilespmem:v8+s6+$0x0], $0xffff  }
0x17a: {  	v7 =	vand.u32 $0x7F, v7;
	v33 =	vadd.s32 v0, v18;
	v18 =	vand.u32 $0x7F, v18;
	v9 =	vld.idx.msk [tilespmem:v9+s6+$0x0], $0xffff  }
0x17b: {  	v35 =	vadd.s32 v0, v19;
	v19 =	vand.u32 $0x7F, v19;
	v37 =	vadd.s32 v0, v20;
	v10 =	vld.idx.msk [tilespmem:v10+s6+$0x0], $0xffff  }
0x17c: {  	v20 =	vand.u32 $0x7F, v20;
	v39 =	vadd.s32 v0, v21;
	v21 =	vand.u32 $0x7F, v21;
	v13 =	vld.idx.msk [tilespmem:v13+s6+$0x0], $0xffff  }
0x17d: {  	v41 =	vadd.s32 v0, v22;
	v22 =	vand.u32 $0x7F, v22;
	v11 =	vand.u32 $0xF80, v11;
	v14 =	vld.idx.msk [tilespmem:v14+s6+$0x0], $0xffff  }
0x17e: {  	v42 =	vadd.s32 v0, v23;
	v23 =	vand.u32 $0x7F, v23;
	v7 =	vor.u32 v7, v11;
	v11 =	vld.idx.msk [tilespmem:v50+s6+$0x0], $0xffff  }
0x17f: {  	v45 =	vadd.s32 v0, v24;
	v24 =	vand.u32 $0x7F, v24;
	v55 =	vadd.s32 v0, v25;
	v15 =	vld.idx.msk [tilespmem:v15+s6+$0x0], $0xffff  }
0x180: {  	v25 =	vand.u32 $0x7F, v25;
	v57 =	vadd.s32 v0, v27;
	v27 =	vand.u32 $0x7F, v27;
	v16 =	vld.idx.msk [tilespmem:v16+s6+$0x0], $0xffff  }
0x181: {  	v59 =	vadd.s32 v0, v28;
	v28 =	vand.u32 $0x7F, v28;
	v33 =	vand.u32 $0xF80, v33;
	v50 =	vld [tilespmem:s18+$0x50]  }
0x182: {  	v35 =	vand.u32 $0xF80, v35;
	v18 =	vor.u32 v18, v33;
	v3 =	vmul.f32 v12, v3;
	v12 =	vld.idx.msk [tilespmem:v51+s6+$0x0], $0xffff  }
0x183: {  	v61 =	vadd.s32 v0, v29;
	v19 =	vor.u32 v19, v35;
	v17 =	vmul.f32 v34, v17;
	v34 =	vld [tilespmem:s18+$0xFFFFFFF0]  }
0x184: {  	v29 =	vand.u32 $0x7F, v29;
	v63 =	vadd.s32 v0, v30;
	v37 =	vand.u32 $0xF80, v37;
	[tilespmem:v7+s4+$0x0] =	vst.idx.add.f32.msk $0xffff, v3  }
0x185: {  	v49 =	vadd.s32 v0, v31;
	v39 =	vand.u32 $0xF80, v39;
	v20 =	vor.u32 v20, v37;
	v3 =	vld [tilespmem:s25+$0x50]  }
0x186: {  	v41 =	vand.u32 $0xF80, v41;
	v21 =	vor.u32 v21, v39;
	v4 =	vmul.f32 v36, v4;
	v7 =	vld.idx.msk [tilespmem:v52+s6+$0x0], $0xffff  }
0x187: {  	v42 =	vand.u32 $0xF80, v42;
	v54 =	vand.u32 $0xF80, v45;
	v22 =	vor.u32 v22, v41;
	[tilespmem:v18+s4+$0x0] =	vst.idx.add.f32.msk $0xffff, v17  }
0x188: {  	v45 =	vand.u32 $0xF80, v55;
	v23 =	vor.u32 v23, v42;
	v5 =	vmul.f32 v38, v5;
	[tilespmem:v19+s4+$0x0] =	vst.idx.add.f32.msk $0xffff, v4  }
0x189: {  	v24 =	vor.u32 v24, v54;
	v25 =	vor.u32 v25, v45;
	v6 =	vmul.f32 v40, v6;
	v52 =	vld [tilespmem:s18+$0x60]  }
0x18a: {  	v60 =	vand.u32 $0xF80, v59;
	v51 =	vadd.s32 v0, v32;
	v8 =	vmul.f32 v53, v8;
	[tilespmem:v20+s4+$0x0] =	vst.idx.add.f32.msk $0xffff, v5  }
0x18b: {  	v55 =	vand.u32 $0x7F, v31;
	v9 =	vmul.f32 v43, v9;
	v10 =	vmul.f32 v44, v10;
	[tilespmem:v21+s4+$0x0] =	vst.idx.add.f32.msk $0xffff, v6  }
0x18c: {  	v54 =	vand.u32 $0xF80, v63;
	v14 =	vmul.f32 v46, v14;
	v17 =	vor.u32 v56, v58;
	[tilespmem:v22+s4+$0x0] =	vst.idx.add.f32.msk $0xffff, v8  }
0x18d: {  	v53 =	vand.u32 $0x7F, v30;
	v4 =	vor.u32 v28, v60;
	[tilespmem:v23+s4+$0x0] =	vst.idx.add.f32.msk $0xffff, v9;
	v13 =	vmul.f32 v34, v13  }
0x18e: {  	v59 =	vand.u32 $0xF80, v51;
	v18 =	vand.u32 $0xF80, v57;
	[tilespmem:v24+s4+$0x0] =	vst.idx.add.f32.msk $0xffff, v10;
	v5 =	vor.u32 v53, v54  }
0x18f: {  	v19 =	vand.u32 $0xF80, v61;
	v57 =	vand.u32 $0x7F, v32;
	v18 =	vor.u32 v27, v18;
	[tilespmem:v25+s4+$0x0] =	vst.idx.add.f32.msk $0xffff, v13  }
0x190: {  	v60 =	vmul.f32 v47, v15;
	v61 =	vmul.f32 v62, v16;
	v19 =	vor.u32 v29, v19;
	v3 =	vld.idx.msk [tilespmem:v3+s6+$0x0], $0xffff  }
0x191: {  	v56 =	vand.u32 $0xF80, v49;
	v10 =	vor.u32 v57, v59;
	v62 =	vmul.f32 v48, v12;
	[tilespmem:v17+s4+$0x0] =	vst.idx.add.f32.msk $0xffff, v14  }
0x192: {  	v58 =	vmul.f32 v26, v11;
	v8 =	vor.u32 v55, v56;
	[tilespmem:v4+s4+$0x0] =	vst.idx.add.f32.msk $0xffff, v60  }
0x193: {  	[tilespmem:v5+s4+$0x0] =	vst.idx.add.f32.msk $0xffff, v62  }
0x194: {  	v63 =	vmul.f32 v52, v7;
	[tilespmem:v18+s4+$0x0] =	vst.idx.add.f32.msk $0xffff, v58  }
0x195: {  	[tilespmem:v19+s4+$0x0] =	vst.idx.add.f32.msk $0xffff, v61;
	v3 =	vmul.f32 v50, v3  }
0x196: {  	[tilespmem:v10+s4+$0x0] =	vst.idx.add.f32.msk $0xffff, v63  }
0x197: {  	s19 =	simm.s32 $0x0;
	s24 =	simm.s32 $0x17180;
	[tilespmem:v8+s4+$0x0] =	vst.idx.add.f32.msk $0xffff, v3  }
.LBB2_9:
0x198: {  	v3 =	vld [tilespmem:s24+$0x70];
	s19 =	sadd.s32 $0x10, s19  }
0x199: {  	v4 =	vld [tilespmem:s24+$0xFFFFFF90];
	p1 =	slt.u32 s19, $0xF0  }
0x19a: {  	v5 =	vld [tilespmem:s24+$0xFFFFFFA0]  }
0x19b: {  	s17 =	sadd.s32 $0x100, s17;
	v6 =	vld [tilespmem:s24+$0xFFFFFFB0]  }
0x19c: {  	v7 =	vld [tilespmem:s17+$0x70]  }
0x19d: {  	v8 =	vld [tilespmem:s24+$0xFFFFFFC0]  }
0x19e: {  	v9 =	vld [tilespmem:s24+$0xFFFFFFD0]  }
0x19f: {  	v10 =	vld [tilespmem:s24+$0xFFFFFFE0]  }
0x1a0: {  	s18 =	sadd.s32 $0x100, s18;
	v3 =	vld.idx.msk [tilespmem:v3+s6+$0x0], $0xffff  }
0x1a1: {  	v11 =	vadd.s32 v0, v7;
	v12 =	vld [tilespmem:s18+$0x70]  }
0x1a2: {  	v7 =	vand.u32 $0x7F, v7;
	v13 =	vld [tilespmem:s24+$0xFFFFFFF0];
	v11 =	vand.u32 $0xF80, v11  }
0x1a3: {  	v14 =	vld [tilespmem:s24+$0x0];
	v7 =	vor.u32 v7, v11  }
0x1a4: {  	v11 =	vld [tilespmem:s24+$0x10]  }
0x1a5: {  	v15 =	vld [tilespmem:s24+$0x20]  }
0x1a6: {  	v16 =	vld [tilespmem:s24+$0x30];
	v3 =	vmul.f32 v12, v3  }
0x1a7: {  	v12 =	vld [tilespmem:s24+$0x40]  }
0x1a8: {  	[tilespmem:v7+s4+$0x0] =	vst.idx.add.f32.msk $0xffff, v3  }
0x1a9: {  	v3 =	vld [tilespmem:s24+$0x50]  }
0x1aa: {  	v7 =	vld [tilespmem:s24+$0x60]  }
0x1ab: {  	v17 =	vld [tilespmem:s24+$0xFFFFFF80]  }
0x1ac: {  	v18 =	vld [tilespmem:s17+$0xFFFFFF80]  }
0x1ad: {  	v19 =	vld [tilespmem:s17+$0xFFFFFF90]  }
0x1ae: {  	v20 =	vld [tilespmem:s17+$0xFFFFFFA0]  }
0x1af: {  	v21 =	vld [tilespmem:s17+$0xFFFFFFB0]  }
0x1b0: {  	v22 =	vld [tilespmem:s17+$0xFFFFFFC0]  }
0x1b1: {  	v23 =	vadd.s32 v0, v18;
	v18 =	vand.u32 $0x7F, v18;
	v24 =	vld [tilespmem:s17+$0xFFFFFFD0]  }
0x1b2: {  	v23 =	vand.u32 $0xF80, v23;
	v25 =	vadd.s32 v0, v19;
	v19 =	vand.u32 $0x7F, v19;
	v26 =	vld [tilespmem:s17+$0xFFFFFFE0]  }
0x1b3: {  	v25 =	vand.u32 $0xF80, v25;
	v27 =	vadd.s32 v0, v20;
	v20 =	vand.u32 $0x7F, v20;
	v28 =	vld [tilespmem:s17+$0xFFFFFFF0]  }
0x1b4: {  	v27 =	vand.u32 $0xF80, v27;
	v29 =	vadd.s32 v0, v21;
	v21 =	vand.u32 $0x7F, v21;
	v30 =	vld [tilespmem:s17+$0x0]  }
0x1b5: {  	v29 =	vand.u32 $0xF80, v29;
	v31 =	vadd.s32 v0, v22;
	v22 =	vand.u32 $0x7F, v22;
	v32 =	vld [tilespmem:s17+$0x10]  }
0x1b6: {  	v31 =	vand.u32 $0xF80, v31;
	v33 =	vadd.s32 v0, v24;
	v24 =	vand.u32 $0x7F, v24;
	v34 =	vld [tilespmem:s17+$0x20]  }
0x1b7: {  	v33 =	vand.u32 $0xF80, v33;
	v35 =	vadd.s32 v0, v26;
	v26 =	vand.u32 $0x7F, v26;
	v36 =	vld [tilespmem:s17+$0x30]  }
0x1b8: {  	v35 =	vand.u32 $0xF80, v35;
	v37 =	vadd.s32 v0, v28;
	v28 =	vand.u32 $0x7F, v28;
	v38 =	vld [tilespmem:s17+$0x40]  }
0x1b9: {  	v37 =	vand.u32 $0xF80, v37;
	v39 =	vadd.s32 v0, v30;
	v30 =	vand.u32 $0x7F, v30;
	v40 =	vld [tilespmem:s17+$0x50]  }
0x1ba: {  	v39 =	vand.u32 $0xF80, v39;
	v41 =	vadd.s32 v0, v32;
	v32 =	vand.u32 $0x7F, v32;
	v42 =	vld [tilespmem:s17+$0x60]  }
0x1bb: {  	v17 =	vld.idx.msk [tilespmem:v17+s6+$0x0], $0xffff;
	v41 =	vand.u32 $0xF80, v41;
	v43 =	vadd.s32 v0, v34;
	v34 =	vand.u32 $0x7F, v34  }
0x1bc: {  	v4 =	vld.idx.msk [tilespmem:v4+s6+$0x0], $0xffff;
	v43 =	vand.u32 $0xF80, v43;
	v44 =	vadd.s32 v0, v36;
	v36 =	vand.u32 $0x7F, v36  }
0x1bd: {  	v5 =	vld.idx.msk [tilespmem:v5+s6+$0x0], $0xffff;
	v44 =	vand.u32 $0xF80, v44;
	v45 =	vadd.s32 v0, v38;
	v38 =	vand.u32 $0x7F, v38  }
0x1be: {  	v6 =	vld.idx.msk [tilespmem:v6+s6+$0x0], $0xffff;
	v45 =	vand.u32 $0xF80, v45;
	v46 =	vadd.s32 v0, v40;
	v40 =	vand.u32 $0x7F, v40  }
0x1bf: {  	v8 =	vld.idx.msk [tilespmem:v8+s6+$0x0], $0xffff;
	v46 =	vand.u32 $0xF80, v46;
	v47 =	vadd.s32 v0, v42;
	v42 =	vand.u32 $0x7F, v42  }
0x1c0: {  	v18 =	vor.u32 v18, v23;
	v19 =	vor.u32 v19, v25;
	v9 =	vld.idx.msk [tilespmem:v9+s6+$0x0], $0xffff;
	v23 =	vand.u32 $0xF80, v47  }
0x1c1: {  	v20 =	vor.u32 v20, v27;
	v21 =	vor.u32 v21, v29;
	v22 =	vor.u32 v22, v31;
	v10 =	vld.idx.msk [tilespmem:v10+s6+$0x0], $0xffff  }
0x1c2: {  	v24 =	vor.u32 v24, v33;
	v25 =	vor.u32 v26, v35;
	v26 =	vor.u32 v28, v37;
	v13 =	vld.idx.msk [tilespmem:v13+s6+$0x0], $0xffff  }
0x1c3: {  	v27 =	vor.u32 v30, v39;
	v28 =	vor.u32 v32, v41;
	v29 =	vor.u32 v34, v43;
	v14 =	vld.idx.msk [tilespmem:v14+s6+$0x0], $0xffff  }
0x1c4: {  	v30 =	vor.u32 v36, v44;
	v31 =	vor.u32 v38, v45;
	v32 =	vor.u32 v40, v46;
	v11 =	vld.idx.msk [tilespmem:v11+s6+$0x0], $0xffff  }
0x1c5: {  	v23 =	vor.u32 v42, v23;
	v15 =	vld.idx.msk [tilespmem:v15+s6+$0x0], $0xffff  }
0x1c6: {  	v16 =	vld.idx.msk [tilespmem:v16+s6+$0x0], $0xffff  }
0x1c7: {  	v12 =	vld.idx.msk [tilespmem:v12+s6+$0x0], $0xffff  }
0x1c8: {  	v3 =	vld.idx.msk [tilespmem:v3+s6+$0x0], $0xffff  }
0x1c9: {  	v7 =	vld.idx.msk [tilespmem:v7+s6+$0x0], $0xffff  }
0x1ca: {  	v33 =	vld [tilespmem:s18+$0xFFFFFF80]  }
0x1cb: {  	v34 =	vld [tilespmem:s18+$0xFFFFFF90]  }
0x1cc: {  	v35 =	vld [tilespmem:s18+$0xFFFFFFA0]  }
0x1cd: {  	v36 =	vld [tilespmem:s18+$0xFFFFFFB0]  }
0x1ce: {  	v37 =	vld [tilespmem:s18+$0xFFFFFFC0]  }
0x1cf: {  	v17 =	vmul.f32 v33, v17;
	v33 =	vld [tilespmem:s18+$0xFFFFFFD0]  }
0x1d0: {  	v4 =	vmul.f32 v34, v4;
	v34 =	vld [tilespmem:s18+$0xFFFFFFE0]  }
0x1d1: {  	v5 =	vmul.f32 v35, v5;
	v35 =	vld [tilespmem:s18+$0xFFFFFFF0]  }
0x1d2: {  	v6 =	vmul.f32 v36, v6;
	v36 =	vld [tilespmem:s18+$0x0]  }
0x1d3: {  	v8 =	vmul.f32 v37, v8;
	v37 =	vld [tilespmem:s18+$0x10]  }
0x1d4: {  	v9 =	vmul.f32 v33, v9;
	v33 =	vld [tilespmem:s18+$0x20]  }
0x1d5: {  	v10 =	vmul.f32 v34, v10;
	v34 =	vld [tilespmem:s18+$0x30]  }
0x1d6: {  	v13 =	vmul.f32 v35, v13;
	v35 =	vld [tilespmem:s18+$0x40]  }
0x1d7: {  	v14 =	vmul.f32 v36, v14;
	v36 =	vld [tilespmem:s18+$0x50]  }
0x1d8: {  	v11 =	vmul.f32 v37, v11;
	v37 =	vld [tilespmem:s18+$0x60]  }
0x1d9: {  	[tilespmem:v18+s4+$0x0] =	vst.idx.add.f32.msk $0xffff, v17;
	v15 =	vmul.f32 v33, v15  }
0x1da: {  	[tilespmem:v19+s4+$0x0] =	vst.idx.add.f32.msk $0xffff, v4;
	v4 =	vmul.f32 v34, v16  }
0x1db: {  	[tilespmem:v20+s4+$0x0] =	vst.idx.add.f32.msk $0xffff, v5;
	v5 =	vmul.f32 v35, v12  }
0x1dc: {  	[tilespmem:v21+s4+$0x0] =	vst.idx.add.f32.msk $0xffff, v6;
	v3 =	vmul.f32 v36, v3  }
0x1dd: {  	[tilespmem:v22+s4+$0x0] =	vst.idx.add.f32.msk $0xffff, v8;
	v6 =	vmul.f32 v37, v7  }
0x1de: {  	[tilespmem:v24+s4+$0x0] =	vst.idx.add.f32.msk $0xffff, v9  }
0x1df: {  	[tilespmem:v25+s4+$0x0] =	vst.idx.add.f32.msk $0xffff, v10  }
0x1e0: {  	[tilespmem:v26+s4+$0x0] =	vst.idx.add.f32.msk $0xffff, v13  }
0x1e1: {  	[tilespmem:v27+s4+$0x0] =	vst.idx.add.f32.msk $0xffff, v14  }
0x1e2: {  	[tilespmem:v28+s4+$0x0] =	vst.idx.add.f32.msk $0xffff, v11  }
.Ltmp3:
0x1e3: {  	[tilespmem:v29+s4+$0x0] =	vst.idx.add.f32.msk $0xffff, v15;
	(pc) =	sbr.rel @p1 .LBB2_9-.Ltmp3, $4  }
0x1e4: {  	[tilespmem:v30+s4+$0x0] =	vst.idx.add.f32.msk $0xffff, v4  }
0x1e5: {  	[tilespmem:v31+s4+$0x0] =	vst.idx.add.f32.msk $0xffff, v5  }
0x1e6: {  	[tilespmem:v32+s4+$0x0] =	vst.idx.add.f32.msk $0xffff, v3  }
0x1e7: {  	s24 =	sadd.s32 $0x100, s24;
	[tilespmem:v23+s4+$0x0] =	vst.idx.add.f32.msk $0xffff, v6  }
0x1e8: {  	p1 =	seq.s32 s15, $0x4  }
0x1e9: {  	s5 =	sadd.s32 @!p1 s16, s21  }
0x1ea: {  	s5 =	sshrl.u32 @!p1 s5, $0x3  }
0x1eb: {  	s17 =	simm.s32 @!p1 $0x0;
	s18 =	simm.s32 @!p1 $0x12000;
	s7 =	sadd.s32 @!p1 s1, s5  }
0x1ec: {  	[tilespmem:s18], [sflag:$0x2] =	stream.linear.gather @!p1 [hbm4b:s7+s17], $0x1000, $0x38;
	[tilespmem:$0x1F100] =	vst v63  }
0x1ed: {  	s7 =	sadd.s32 @!p1 s2, s5;
	s18 =	simm.s32 @!p1 $0x16000  }
0x1ee: {  	[tilespmem:s18], [sflag:$0x2] =	stream.linear.gather @!p1 [hbm4b:s7+s17], $0x1000, $0x38;
	[tilespmem:$0x1F100] =	vst v63  }
0x1ef: {  	s5 =	sadd.s32 @!p1 s0, s5;
	s7 =	simm.s32 @!p1 $0x1A000  }
0x1f0: {  	[tilespmem:s7], [sflag:$0x2] =	stream.linear.gather @!p1 [hbm4b:s5+s17], $0x1000, $0x38;
	[tilespmem:$0x1F100] =	vst v63  }
0x1f1: {  	_ =	swait.ge [sflag:s12], $0x1000  }
0x1f2: {  	[sflag:s12] =	ssyncset.done $0x0  }
0x1f3: {  	[sflag:s12] =	ssyncadd.s32 $0xFFFFF000  }
0x1f4: {  	_ =	swait.ge [sflag:s12], $0x1000  }
0x1f5: {  	[sflag:s12] =	ssyncset.done $0x0  }
0x1f6: {  	[sflag:s12] =	ssyncadd.s32 $0xFFFFF000  }
0x1f7: {  	_ =	swait.ge [sflag:s12], $0x1000  }
0x1f8: {  	[sflag:s12] =	ssyncset.done $0x0  }
0x1f9: {  	s25 =	simm.s32 $0x18080;
	[sflag:s12] =	ssyncadd.s32 $0xFFFFF000  }
0x1fa: {  	v3 =	vld [tilespmem:s25+$0x70]  }
0x1fb: {  	v4 =	vld [tilespmem:s25+$0xFFFFFF90]  }
0x1fc: {  	v5 =	vld [tilespmem:s25+$0xFFFFFFA0]  }
0x1fd: {  	s17 =	simm.s32 $0x14080;
	v6 =	vld [tilespmem:s25+$0xFFFFFFB0]  }
0x1fe: {  	v7 =	vld [tilespmem:s17+$0x70]  }
0x1ff: {  	v8 =	vld [tilespmem:s25+$0xFFFFFFC0]  }
0x200: {  	v9 =	vld [tilespmem:s25+$0xFFFFFFD0]  }
0x201: {  	s18 =	simm.s32 $0x1C080;
	v10 =	vld [tilespmem:s25+$0xFFFFFFE0]  }
0x202: {  	v12 =	vld [tilespmem:s18+$0x70]  }
0x203: {  	v13 =	vld [tilespmem:s25+$0xFFFFFFF0]  }
0x204: {  	v14 =	vld [tilespmem:s25+$0x0]  }
0x205: {  	v50 =	vld [tilespmem:s25+$0x10]  }
0x206: {  	v15 =	vld [tilespmem:s25+$0x20]  }
0x207: {  	v16 =	vld [tilespmem:s25+$0x30]  }
0x208: {  	v51 =	vld [tilespmem:s25+$0x40]  }
0x209: {  	v52 =	vld [tilespmem:s25+$0x60]  }
0x20a: {  	v17 =	vld [tilespmem:s25+$0xFFFFFF80]  }
0x20b: {  	v18 =	vld [tilespmem:s17+$0xFFFFFF80]  }
0x20c: {  	v19 =	vld [tilespmem:s17+$0xFFFFFF90]  }
0x20d: {  	v20 =	vld [tilespmem:s17+$0xFFFFFFA0]  }
0x20e: {  	v21 =	vld [tilespmem:s17+$0xFFFFFFB0]  }
0x20f: {  	v22 =	vld [tilespmem:s17+$0xFFFFFFC0]  }
0x210: {  	v23 =	vld [tilespmem:s17+$0xFFFFFFD0]  }
0x211: {  	v24 =	vld [tilespmem:s17+$0xFFFFFFE0]  }
0x212: {  	v25 =	vld [tilespmem:s17+$0xFFFFFFF0]  }
0x213: {  	v26 =	vld [tilespmem:s17+$0x0]  }
0x214: {  	v27 =	vld [tilespmem:s17+$0x10]  }
0x215: {  	v28 =	vld [tilespmem:s17+$0x20]  }
0x216: {  	v29 =	vld [tilespmem:s17+$0x30]  }
0x217: {  	v30 =	vld [tilespmem:s17+$0x40]  }
0x218: {  	v31 =	vld [tilespmem:s17+$0x50]  }
0x219: {  	v32 =	vld [tilespmem:s17+$0x60]  }
0x21a: {  	v34 =	vld [tilespmem:s18+$0xFFFFFF80]  }
0x21b: {  	v36 =	vld [tilespmem:s18+$0xFFFFFF90]  }
0x21c: {  	v38 =	vld [tilespmem:s18+$0xFFFFFFA0]  }
0x21d: {  	v40 =	vld [tilespmem:s18+$0xFFFFFFB0]  }
0x21e: {  	v53 =	vld [tilespmem:s18+$0xFFFFFFC0]  }
0x21f: {  	v43 =	vld [tilespmem:s18+$0xFFFFFFD0]  }
0x220: {  	v44 =	vld [tilespmem:s18+$0xFFFFFFE0]  }
0x221: {  	v46 =	vld [tilespmem:s18+$0x0]  }
0x222: {  	v62 =	vld [tilespmem:s18+$0x30]  }
0x223: {  	v48 =	vld [tilespmem:s18+$0x40]  }
0x224: {  	v47 =	vadd.s32 v0, v26;
	v56 =	vand.u32 $0x7F, v26;
	v26 =	vld [tilespmem:s18+$0x10]  }
0x225: {  	v58 =	vand.u32 $0xF80, v47;
	v47 =	vld [tilespmem:s18+$0x20]  }
0x226: {  	v3 =	vld.idx.msk [tilespmem:v3+s6+$0x0], $0xffff  }
0x227: {  	v17 =	vld.idx.msk [tilespmem:v17+s6+$0x0], $0xffff  }
0x228: {  	v4 =	vld.idx.msk [tilespmem:v4+s6+$0x0], $0xffff  }
0x229: {  	v5 =	vld.idx.msk [tilespmem:v5+s6+$0x0], $0xffff  }
0x22a: {  	v6 =	vld.idx.msk [tilespmem:v6+s6+$0x0], $0xffff  }
0x22b: {  	v11 =	vadd.s32 v0, v7;
	v8 =	vld.idx.msk [tilespmem:v8+s6+$0x0], $0xffff  }
0x22c: {  	v7 =	vand.u32 $0x7F, v7;
	v33 =	vadd.s32 v0, v18;
	v18 =	vand.u32 $0x7F, v18;
	v9 =	vld.idx.msk [tilespmem:v9+s6+$0x0], $0xffff  }
0x22d: {  	v35 =	vadd.s32 v0, v19;
	v19 =	vand.u32 $0x7F, v19;
	v37 =	vadd.s32 v0, v20;
	v10 =	vld.idx.msk [tilespmem:v10+s6+$0x0], $0xffff  }
0x22e: {  	v20 =	vand.u32 $0x7F, v20;
	v39 =	vadd.s32 v0, v21;
	v21 =	vand.u32 $0x7F, v21;
	v13 =	vld.idx.msk [tilespmem:v13+s6+$0x0], $0xffff  }
0x22f: {  	v41 =	vadd.s32 v0, v22;
	v22 =	vand.u32 $0x7F, v22;
	v11 =	vand.u32 $0xF80, v11;
	v14 =	vld.idx.msk [tilespmem:v14+s6+$0x0], $0xffff  }
0x230: {  	v42 =	vadd.s32 v0, v23;
	v23 =	vand.u32 $0x7F, v23;
	v7 =	vor.u32 v7, v11;
	v11 =	vld.idx.msk [tilespmem:v50+s6+$0x0], $0xffff  }
0x231: {  	v45 =	vadd.s32 v0, v24;
	v24 =	vand.u32 $0x7F, v24;
	v55 =	vadd.s32 v0, v25;
	v15 =	vld.idx.msk [tilespmem:v15+s6+$0x0], $0xffff  }
0x232: {  	v25 =	vand.u32 $0x7F, v25;
	v57 =	vadd.s32 v0, v27;
	v27 =	vand.u32 $0x7F, v27;
	v16 =	vld.idx.msk [tilespmem:v16+s6+$0x0], $0xffff  }
0x233: {  	v59 =	vadd.s32 v0, v28;
	v28 =	vand.u32 $0x7F, v28;
	v33 =	vand.u32 $0xF80, v33;
	v50 =	vld [tilespmem:s18+$0x50]  }
0x234: {  	v35 =	vand.u32 $0xF80, v35;
	v18 =	vor.u32 v18, v33;
	v3 =	vmul.f32 v12, v3;
	v12 =	vld.idx.msk [tilespmem:v51+s6+$0x0], $0xffff  }
0x235: {  	v61 =	vadd.s32 v0, v29;
	v19 =	vor.u32 v19, v35;
	v17 =	vmul.f32 v34, v17;
	v34 =	vld [tilespmem:s18+$0xFFFFFFF0]  }
0x236: {  	v29 =	vand.u32 $0x7F, v29;
	v63 =	vadd.s32 v0, v30;
	v37 =	vand.u32 $0xF80, v37;
	[tilespmem:v7+s4+$0x0] =	vst.idx.add.f32.msk $0xffff, v3  }
0x237: {  	v49 =	vadd.s32 v0, v31;
	v39 =	vand.u32 $0xF80, v39;
	v20 =	vor.u32 v20, v37;
	v3 =	vld [tilespmem:s25+$0x50]  }
0x238: {  	v41 =	vand.u32 $0xF80, v41;
	v21 =	vor.u32 v21, v39;
	v4 =	vmul.f32 v36, v4;
	v7 =	vld.idx.msk [tilespmem:v52+s6+$0x0], $0xffff  }
0x239: {  	v42 =	vand.u32 $0xF80, v42;
	v54 =	vand.u32 $0xF80, v45;
	v22 =	vor.u32 v22, v41;
	[tilespmem:v18+s4+$0x0] =	vst.idx.add.f32.msk $0xffff, v17  }
0x23a: {  	v45 =	vand.u32 $0xF80, v55;
	v23 =	vor.u32 v23, v42;
	v5 =	vmul.f32 v38, v5;
	[tilespmem:v19+s4+$0x0] =	vst.idx.add.f32.msk $0xffff, v4  }
0x23b: {  	v24 =	vor.u32 v24, v54;
	v25 =	vor.u32 v25, v45;
	v6 =	vmul.f32 v40, v6;
	v52 =	vld [tilespmem:s18+$0x60]  }
0x23c: {  	v60 =	vand.u32 $0xF80, v59;
	v51 =	vadd.s32 v0, v32;
	v8 =	vmul.f32 v53, v8;
	[tilespmem:v20+s4+$0x0] =	vst.idx.add.f32.msk $0xffff, v5  }
0x23d: {  	v55 =	vand.u32 $0x7F, v31;
	v9 =	vmul.f32 v43, v9;
	v10 =	vmul.f32 v44, v10;
	[tilespmem:v21+s4+$0x0] =	vst.idx.add.f32.msk $0xffff, v6  }
0x23e: {  	v54 =	vand.u32 $0xF80, v63;
	v14 =	vmul.f32 v46, v14;
	v17 =	vor.u32 v56, v58;
	[tilespmem:v22+s4+$0x0] =	vst.idx.add.f32.msk $0xffff, v8  }
0x23f: {  	v53 =	vand.u32 $0x7F, v30;
	v4 =	vor.u32 v28, v60;
	[tilespmem:v23+s4+$0x0] =	vst.idx.add.f32.msk $0xffff, v9;
	v13 =	vmul.f32 v34, v13  }
0x240: {  	v59 =	vand.u32 $0xF80, v51;
	v18 =	vand.u32 $0xF80, v57;
	[tilespmem:v24+s4+$0x0] =	vst.idx.add.f32.msk $0xffff, v10;
	v5 =	vor.u32 v53, v54  }
0x241: {  	v19 =	vand.u32 $0xF80, v61;
	v57 =	vand.u32 $0x7F, v32;
	v18 =	vor.u32 v27, v18;
	[tilespmem:v25+s4+$0x0] =	vst.idx.add.f32.msk $0xffff, v13  }
0x242: {  	v60 =	vmul.f32 v47, v15;
	v61 =	vmul.f32 v62, v16;
	v19 =	vor.u32 v29, v19;
	v3 =	vld.idx.msk [tilespmem:v3+s6+$0x0], $0xffff  }
0x243: {  	v56 =	vand.u32 $0xF80, v49;
	v10 =	vor.u32 v57, v59;
	v62 =	vmul.f32 v48, v12;
	[tilespmem:v17+s4+$0x0] =	vst.idx.add.f32.msk $0xffff, v14  }
0x244: {  	v58 =	vmul.f32 v26, v11;
	v8 =	vor.u32 v55, v56;
	[tilespmem:v4+s4+$0x0] =	vst.idx.add.f32.msk $0xffff, v60  }
0x245: {  	[tilespmem:v5+s4+$0x0] =	vst.idx.add.f32.msk $0xffff, v62  }
0x246: {  	v63 =	vmul.f32 v52, v7;
	[tilespmem:v18+s4+$0x0] =	vst.idx.add.f32.msk $0xffff, v58  }
0x247: {  	[tilespmem:v19+s4+$0x0] =	vst.idx.add.f32.msk $0xffff, v61;
	v3 =	vmul.f32 v50, v3  }
0x248: {  	[tilespmem:v10+s4+$0x0] =	vst.idx.add.f32.msk $0xffff, v63  }
0x249: {  	s19 =	simm.s32 $0x0;
	s24 =	simm.s32 $0x18180;
	[tilespmem:v8+s4+$0x0] =	vst.idx.add.f32.msk $0xffff, v3  }
.LBB2_11:
0x24a: {  	v3 =	vld [tilespmem:s24+$0x70];
	s19 =	sadd.s32 $0x10, s19  }
0x24b: {  	v4 =	vld [tilespmem:s24+$0xFFFFFF90];
	p2 =	slt.u32 s19, $0xF0  }
0x24c: {  	v5 =	vld [tilespmem:s24+$0xFFFFFFA0]  }
0x24d: {  	s17 =	sadd.s32 $0x100, s17;
	v6 =	vld [tilespmem:s24+$0xFFFFFFB0]  }
0x24e: {  	v7 =	vld [tilespmem:s17+$0x70]  }
0x24f: {  	v8 =	vld [tilespmem:s24+$0xFFFFFFC0]  }
0x250: {  	v9 =	vld [tilespmem:s24+$0xFFFFFFD0]  }
0x251: {  	v10 =	vld [tilespmem:s24+$0xFFFFFFE0]  }
0x252: {  	s18 =	sadd.s32 $0x100, s18;
	v3 =	vld.idx.msk [tilespmem:v3+s6+$0x0], $0xffff  }
0x253: {  	v11 =	vadd.s32 v0, v7;
	v12 =	vld [tilespmem:s18+$0x70]  }
0x254: {  	v7 =	vand.u32 $0x7F, v7;
	v13 =	vld [tilespmem:s24+$0xFFFFFFF0];
	v11 =	vand.u32 $0xF80, v11  }
0x255: {  	v14 =	vld [tilespmem:s24+$0x0];
	v7 =	vor.u32 v7, v11  }
0x256: {  	v11 =	vld [tilespmem:s24+$0x10]  }
0x257: {  	v15 =	vld [tilespmem:s24+$0x20]  }
0x258: {  	v16 =	vld [tilespmem:s24+$0x30];
	v3 =	vmul.f32 v12, v3  }
0x259: {  	v12 =	vld [tilespmem:s24+$0x40]  }
0x25a: {  	[tilespmem:v7+s4+$0x0] =	vst.idx.add.f32.msk $0xffff, v3  }
0x25b: {  	v3 =	vld [tilespmem:s24+$0x50]  }
0x25c: {  	v7 =	vld [tilespmem:s24+$0x60]  }
0x25d: {  	v17 =	vld [tilespmem:s24+$0xFFFFFF80]  }
0x25e: {  	v18 =	vld [tilespmem:s17+$0xFFFFFF80]  }
0x25f: {  	v19 =	vld [tilespmem:s17+$0xFFFFFF90]  }
0x260: {  	v20 =	vld [tilespmem:s17+$0xFFFFFFA0]  }
0x261: {  	v21 =	vld [tilespmem:s17+$0xFFFFFFB0]  }
0x262: {  	v22 =	vld [tilespmem:s17+$0xFFFFFFC0]  }
0x263: {  	v23 =	vadd.s32 v0, v18;
	v18 =	vand.u32 $0x7F, v18;
	v24 =	vld [tilespmem:s17+$0xFFFFFFD0]  }
0x264: {  	v23 =	vand.u32 $0xF80, v23;
	v25 =	vadd.s32 v0, v19;
	v19 =	vand.u32 $0x7F, v19;
	v26 =	vld [tilespmem:s17+$0xFFFFFFE0]  }
0x265: {  	v25 =	vand.u32 $0xF80, v25;
	v27 =	vadd.s32 v0, v20;
	v20 =	vand.u32 $0x7F, v20;
	v28 =	vld [tilespmem:s17+$0xFFFFFFF0]  }
0x266: {  	v27 =	vand.u32 $0xF80, v27;
	v29 =	vadd.s32 v0, v21;
	v21 =	vand.u32 $0x7F, v21;
	v30 =	vld [tilespmem:s17+$0x0]  }
0x267: {  	v29 =	vand.u32 $0xF80, v29;
	v31 =	vadd.s32 v0, v22;
	v22 =	vand.u32 $0x7F, v22;
	v32 =	vld [tilespmem:s17+$0x10]  }
0x268: {  	v31 =	vand.u32 $0xF80, v31;
	v33 =	vadd.s32 v0, v24;
	v24 =	vand.u32 $0x7F, v24;
	v34 =	vld [tilespmem:s17+$0x20]  }
0x269: {  	v33 =	vand.u32 $0xF80, v33;
	v35 =	vadd.s32 v0, v26;
	v26 =	vand.u32 $0x7F, v26;
	v36 =	vld [tilespmem:s17+$0x30]  }
0x26a: {  	v35 =	vand.u32 $0xF80, v35;
	v37 =	vadd.s32 v0, v28;
	v28 =	vand.u32 $0x7F, v28;
	v38 =	vld [tilespmem:s17+$0x40]  }
0x26b: {  	v37 =	vand.u32 $0xF80, v37;
	v39 =	vadd.s32 v0, v30;
	v30 =	vand.u32 $0x7F, v30;
	v40 =	vld [tilespmem:s17+$0x50]  }
0x26c: {  	v39 =	vand.u32 $0xF80, v39;
	v41 =	vadd.s32 v0, v32;
	v32 =	vand.u32 $0x7F, v32;
	v42 =	vld [tilespmem:s17+$0x60]  }
0x26d: {  	v17 =	vld.idx.msk [tilespmem:v17+s6+$0x0], $0xffff;
	v41 =	vand.u32 $0xF80, v41;
	v43 =	vadd.s32 v0, v34;
	v34 =	vand.u32 $0x7F, v34  }
0x26e: {  	v4 =	vld.idx.msk [tilespmem:v4+s6+$0x0], $0xffff;
	v43 =	vand.u32 $0xF80, v43;
	v44 =	vadd.s32 v0, v36;
	v36 =	vand.u32 $0x7F, v36  }
0x26f: {  	v5 =	vld.idx.msk [tilespmem:v5+s6+$0x0], $0xffff;
	v44 =	vand.u32 $0xF80, v44;
	v45 =	vadd.s32 v0, v38;
	v38 =	vand.u32 $0x7F, v38  }
0x270: {  	v6 =	vld.idx.msk [tilespmem:v6+s6+$0x0], $0xffff;
	v45 =	vand.u32 $0xF80, v45;
	v46 =	vadd.s32 v0, v40;
	v40 =	vand.u32 $0x7F, v40  }
0x271: {  	v8 =	vld.idx.msk [tilespmem:v8+s6+$0x0], $0xffff;
	v46 =	vand.u32 $0xF80, v46;
	v47 =	vadd.s32 v0, v42;
	v42 =	vand.u32 $0x7F, v42  }
0x272: {  	v18 =	vor.u32 v18, v23;
	v19 =	vor.u32 v19, v25;
	v9 =	vld.idx.msk [tilespmem:v9+s6+$0x0], $0xffff;
	v23 =	vand.u32 $0xF80, v47  }
0x273: {  	v20 =	vor.u32 v20, v27;
	v21 =	vor.u32 v21, v29;
	v22 =	vor.u32 v22, v31;
	v10 =	vld.idx.msk [tilespmem:v10+s6+$0x0], $0xffff  }
0x274: {  	v24 =	vor.u32 v24, v33;
	v25 =	vor.u32 v26, v35;
	v26 =	vor.u32 v28, v37;
	v13 =	vld.idx.msk [tilespmem:v13+s6+$0x0], $0xffff  }
0x275: {  	v27 =	vor.u32 v30, v39;
	v28 =	vor.u32 v32, v41;
	v29 =	vor.u32 v34, v43;
	v14 =	vld.idx.msk [tilespmem:v14+s6+$0x0], $0xffff  }
0x276: {  	v30 =	vor.u32 v36, v44;
	v31 =	vor.u32 v38, v45;
	v32 =	vor.u32 v40, v46;
	v11 =	vld.idx.msk [tilespmem:v11+s6+$0x0], $0xffff  }
0x277: {  	v23 =	vor.u32 v42, v23;
	v15 =	vld.idx.msk [tilespmem:v15+s6+$0x0], $0xffff  }
0x278: {  	v16 =	vld.idx.msk [tilespmem:v16+s6+$0x0], $0xffff  }
0x279: {  	v12 =	vld.idx.msk [tilespmem:v12+s6+$0x0], $0xffff  }
0x27a: {  	v3 =	vld.idx.msk [tilespmem:v3+s6+$0x0], $0xffff  }
0x27b: {  	v7 =	vld.idx.msk [tilespmem:v7+s6+$0x0], $0xffff  }
0x27c: {  	v33 =	vld [tilespmem:s18+$0xFFFFFF80]  }
0x27d: {  	v34 =	vld [tilespmem:s18+$0xFFFFFF90]  }
0x27e: {  	v35 =	vld [tilespmem:s18+$0xFFFFFFA0]  }
0x27f: {  	v36 =	vld [tilespmem:s18+$0xFFFFFFB0]  }
0x280: {  	v37 =	vld [tilespmem:s18+$0xFFFFFFC0]  }
0x281: {  	v17 =	vmul.f32 v33, v17;
	v33 =	vld [tilespmem:s18+$0xFFFFFFD0]  }
0x282: {  	v4 =	vmul.f32 v34, v4;
	v34 =	vld [tilespmem:s18+$0xFFFFFFE0]  }
0x283: {  	v5 =	vmul.f32 v35, v5;
	v35 =	vld [tilespmem:s18+$0xFFFFFFF0]  }
0x284: {  	v6 =	vmul.f32 v36, v6;
	v36 =	vld [tilespmem:s18+$0x0]  }
0x285: {  	v8 =	vmul.f32 v37, v8;
	v37 =	vld [tilespmem:s18+$0x10]  }
0x286: {  	v9 =	vmul.f32 v33, v9;
	v33 =	vld [tilespmem:s18+$0x20]  }
0x287: {  	v10 =	vmul.f32 v34, v10;
	v34 =	vld [tilespmem:s18+$0x30]  }
0x288: {  	v13 =	vmul.f32 v35, v13;
	v35 =	vld [tilespmem:s18+$0x40]  }
0x289: {  	v14 =	vmul.f32 v36, v14;
	v36 =	vld [tilespmem:s18+$0x50]  }
0x28a: {  	v11 =	vmul.f32 v37, v11;
	v37 =	vld [tilespmem:s18+$0x60]  }
0x28b: {  	[tilespmem:v18+s4+$0x0] =	vst.idx.add.f32.msk $0xffff, v17;
	v15 =	vmul.f32 v33, v15  }
0x28c: {  	[tilespmem:v19+s4+$0x0] =	vst.idx.add.f32.msk $0xffff, v4;
	v4 =	vmul.f32 v34, v16  }
0x28d: {  	[tilespmem:v20+s4+$0x0] =	vst.idx.add.f32.msk $0xffff, v5;
	v5 =	vmul.f32 v35, v12  }
0x28e: {  	[tilespmem:v21+s4+$0x0] =	vst.idx.add.f32.msk $0xffff, v6;
	v3 =	vmul.f32 v36, v3  }
0x28f: {  	[tilespmem:v22+s4+$0x0] =	vst.idx.add.f32.msk $0xffff, v8;
	v6 =	vmul.f32 v37, v7  }
0x290: {  	[tilespmem:v24+s4+$0x0] =	vst.idx.add.f32.msk $0xffff, v9  }
0x291: {  	[tilespmem:v25+s4+$0x0] =	vst.idx.add.f32.msk $0xffff, v10  }
0x292: {  	[tilespmem:v26+s4+$0x0] =	vst.idx.add.f32.msk $0xffff, v13  }
0x293: {  	[tilespmem:v27+s4+$0x0] =	vst.idx.add.f32.msk $0xffff, v14  }
0x294: {  	[tilespmem:v28+s4+$0x0] =	vst.idx.add.f32.msk $0xffff, v11  }
.Ltmp4:
0x295: {  	[tilespmem:v29+s4+$0x0] =	vst.idx.add.f32.msk $0xffff, v15;
	(pc) =	sbr.rel @p2 .LBB2_11-.Ltmp4, $4  }
0x296: {  	[tilespmem:v30+s4+$0x0] =	vst.idx.add.f32.msk $0xffff, v4  }
0x297: {  	[tilespmem:v31+s4+$0x0] =	vst.idx.add.f32.msk $0xffff, v5  }
0x298: {  	[tilespmem:v32+s4+$0x0] =	vst.idx.add.f32.msk $0xffff, v3  }
0x299: {  	s24 =	sadd.s32 $0x100, s24;
	[tilespmem:v23+s4+$0x0] =	vst.idx.add.f32.msk $0xffff, v6  }
0x29a: {  	s5 =	sadd.s32 @!p1 s16, s22  }
0x29b: {  	s5 =	sshrl.u32 @!p1 s5, $0x3  }
0x29c: {  	s17 =	simm.s32 @!p1 $0x0;
	s18 =	simm.s32 @!p1 $0x13000;
	s7 =	sadd.s32 @!p1 s1, s5  }
0x29d: {  	[tilespmem:s18], [sflag:$0x3] =	stream.linear.gather @!p1 [hbm4b:s7+s17], $0x1000, $0x38;
	[tilespmem:$0x1F100] =	vst v63  }
0x29e: {  	s7 =	sadd.s32 @!p1 s2, s5;
	s18 =	simm.s32 @!p1 $0x17000  }
0x29f: {  	[tilespmem:s18], [sflag:$0x3] =	stream.linear.gather @!p1 [hbm4b:s7+s17], $0x1000, $0x38;
	[tilespmem:$0x1F100] =	vst v63  }
0x2a0: {  	s5 =	sadd.s32 @!p1 s0, s5;
	s7 =	simm.s32 @!p1 $0x1B000  }
0x2a1: {  	[tilespmem:s7], [sflag:$0x3] =	stream.linear.gather @!p1 [hbm4b:s5+s17], $0x1000, $0x38;
	[tilespmem:$0x1F100] =	vst v63  }
0x2a2: {  	_ =	swait.ge [sflag:s13], $0x1000  }
0x2a3: {  	[sflag:s13] =	ssyncset.done $0x0  }
0x2a4: {  	[sflag:s13] =	ssyncadd.s32 $0xFFFFF000  }
0x2a5: {  	_ =	swait.ge [sflag:s13], $0x1000  }
0x2a6: {  	[sflag:s13] =	ssyncset.done $0x0  }
0x2a7: {  	[sflag:s13] =	ssyncadd.s32 $0xFFFFF000  }
0x2a8: {  	_ =	swait.ge [sflag:s13], $0x1000  }
0x2a9: {  	[sflag:s13] =	ssyncset.done $0x0  }
0x2aa: {  	s25 =	simm.s32 $0x19080;
	[sflag:s13] =	ssyncadd.s32 $0xFFFFF000  }
0x2ab: {  	v3 =	vld [tilespmem:s25+$0x70]  }
0x2ac: {  	v4 =	vld [tilespmem:s25+$0xFFFFFF90]  }
0x2ad: {  	v5 =	vld [tilespmem:s25+$0xFFFFFFA0]  }
0x2ae: {  	s17 =	simm.s32 $0x15080;
	v6 =	vld [tilespmem:s25+$0xFFFFFFB0]  }
0x2af: {  	v7 =	vld [tilespmem:s17+$0x70]  }
0x2b0: {  	v8 =	vld [tilespmem:s25+$0xFFFFFFC0]  }
0x2b1: {  	v9 =	vld [tilespmem:s25+$0xFFFFFFD0]  }
0x2b2: {  	s18 =	simm.s32 $0x1D080;
	v10 =	vld [tilespmem:s25+$0xFFFFFFE0]  }
0x2b3: {  	v12 =	vld [tilespmem:s18+$0x70]  }
0x2b4: {  	v13 =	vld [tilespmem:s25+$0xFFFFFFF0]  }
0x2b5: {  	v14 =	vld [tilespmem:s25+$0x0]  }
0x2b6: {  	v50 =	vld [tilespmem:s25+$0x10]  }
0x2b7: {  	v15 =	vld [tilespmem:s25+$0x20]  }
0x2b8: {  	v16 =	vld [tilespmem:s25+$0x30]  }
0x2b9: {  	v51 =	vld [tilespmem:s25+$0x40]  }
0x2ba: {  	v52 =	vld [tilespmem:s25+$0x60]  }
0x2bb: {  	v17 =	vld [tilespmem:s25+$0xFFFFFF80]  }
0x2bc: {  	v18 =	vld [tilespmem:s17+$0xFFFFFF80]  }
0x2bd: {  	v19 =	vld [tilespmem:s17+$0xFFFFFF90]  }
0x2be: {  	v20 =	vld [tilespmem:s17+$0xFFFFFFA0]  }
0x2bf: {  	v21 =	vld [tilespmem:s17+$0xFFFFFFB0]  }
0x2c0: {  	v22 =	vld [tilespmem:s17+$0xFFFFFFC0]  }
0x2c1: {  	v23 =	vld [tilespmem:s17+$0xFFFFFFD0]  }
0x2c2: {  	v24 =	vld [tilespmem:s17+$0xFFFFFFE0]  }
0x2c3: {  	v25 =	vld [tilespmem:s17+$0xFFFFFFF0]  }
0x2c4: {  	v26 =	vld [tilespmem:s17+$0x0]  }
0x2c5: {  	v27 =	vld [tilespmem:s17+$0x10]  }
0x2c6: {  	v28 =	vld [tilespmem:s17+$0x20]  }
0x2c7: {  	v29 =	vld [tilespmem:s17+$0x30]  }
0x2c8: {  	v30 =	vld [tilespmem:s17+$0x40]  }
0x2c9: {  	v31 =	vld [tilespmem:s17+$0x50]  }
0x2ca: {  	v32 =	vld [tilespmem:s17+$0x60]  }
0x2cb: {  	v34 =	vld [tilespmem:s18+$0xFFFFFF80]  }
0x2cc: {  	v36 =	vld [tilespmem:s18+$0xFFFFFF90]  }
0x2cd: {  	v38 =	vld [tilespmem:s18+$0xFFFFFFA0]  }
0x2ce: {  	v40 =	vld [tilespmem:s18+$0xFFFFFFB0]  }
0x2cf: {  	v53 =	vld [tilespmem:s18+$0xFFFFFFC0]  }
0x2d0: {  	v43 =	vld [tilespmem:s18+$0xFFFFFFD0]  }
0x2d1: {  	v44 =	vld [tilespmem:s18+$0xFFFFFFE0]  }
0x2d2: {  	v46 =	vld [tilespmem:s18+$0x0]  }
0x2d3: {  	v62 =	vld [tilespmem:s18+$0x30]  }
0x2d4: {  	v48 =	vld [tilespmem:s18+$0x40]  }
0x2d5: {  	v47 =	vadd.s32 v0, v26;
	v56 =	vand.u32 $0x7F, v26;
	v26 =	vld [tilespmem:s18+$0x10]  }
0x2d6: {  	v58 =	vand.u32 $0xF80, v47;
	v47 =	vld [tilespmem:s18+$0x20]  }
0x2d7: {  	v3 =	vld.idx.msk [tilespmem:v3+s6+$0x0], $0xffff  }
0x2d8: {  	v17 =	vld.idx.msk [tilespmem:v17+s6+$0x0], $0xffff  }
0x2d9: {  	v4 =	vld.idx.msk [tilespmem:v4+s6+$0x0], $0xffff  }
0x2da: {  	v5 =	vld.idx.msk [tilespmem:v5+s6+$0x0], $0xffff  }
0x2db: {  	v6 =	vld.idx.msk [tilespmem:v6+s6+$0x0], $0xffff  }
0x2dc: {  	v11 =	vadd.s32 v0, v7;
	v8 =	vld.idx.msk [tilespmem:v8+s6+$0x0], $0xffff  }
0x2dd: {  	v7 =	vand.u32 $0x7F, v7;
	v33 =	vadd.s32 v0, v18;
	v18 =	vand.u32 $0x7F, v18;
	v9 =	vld.idx.msk [tilespmem:v9+s6+$0x0], $0xffff  }
0x2de: {  	v35 =	vadd.s32 v0, v19;
	v19 =	vand.u32 $0x7F, v19;
	v37 =	vadd.s32 v0, v20;
	v10 =	vld.idx.msk [tilespmem:v10+s6+$0x0], $0xffff  }
0x2df: {  	v20 =	vand.u32 $0x7F, v20;
	v39 =	vadd.s32 v0, v21;
	v21 =	vand.u32 $0x7F, v21;
	v13 =	vld.idx.msk [tilespmem:v13+s6+$0x0], $0xffff  }
0x2e0: {  	v41 =	vadd.s32 v0, v22;
	v22 =	vand.u32 $0x7F, v22;
	v11 =	vand.u32 $0xF80, v11;
	v14 =	vld.idx.msk [tilespmem:v14+s6+$0x0], $0xffff  }
0x2e1: {  	v42 =	vadd.s32 v0, v23;
	v23 =	vand.u32 $0x7F, v23;
	v7 =	vor.u32 v7, v11;
	v11 =	vld.idx.msk [tilespmem:v50+s6+$0x0], $0xffff  }
0x2e2: {  	v45 =	vadd.s32 v0, v24;
	v24 =	vand.u32 $0x7F, v24;
	v55 =	vadd.s32 v0, v25;
	v15 =	vld.idx.msk [tilespmem:v15+s6+$0x0], $0xffff  }
0x2e3: {  	v25 =	vand.u32 $0x7F, v25;
	v57 =	vadd.s32 v0, v27;
	v27 =	vand.u32 $0x7F, v27;
	v16 =	vld.idx.msk [tilespmem:v16+s6+$0x0], $0xffff  }
0x2e4: {  	v59 =	vadd.s32 v0, v28;
	v28 =	vand.u32 $0x7F, v28;
	v33 =	vand.u32 $0xF80, v33;
	v50 =	vld [tilespmem:s18+$0x50]  }
0x2e5: {  	v35 =	vand.u32 $0xF80, v35;
	v18 =	vor.u32 v18, v33;
	v3 =	vmul.f32 v12, v3;
	v12 =	vld.idx.msk [tilespmem:v51+s6+$0x0], $0xffff  }
0x2e6: {  	v61 =	vadd.s32 v0, v29;
	v19 =	vor.u32 v19, v35;
	v17 =	vmul.f32 v34, v17;
	v34 =	vld [tilespmem:s18+$0xFFFFFFF0]  }
0x2e7: {  	v29 =	vand.u32 $0x7F, v29;
	v63 =	vadd.s32 v0, v30;
	v37 =	vand.u32 $0xF80, v37;
	[tilespmem:v7+s4+$0x0] =	vst.idx.add.f32.msk $0xffff, v3  }
0x2e8: {  	v49 =	vadd.s32 v0, v31;
	v39 =	vand.u32 $0xF80, v39;
	v20 =	vor.u32 v20, v37;
	v3 =	vld [tilespmem:s25+$0x50]  }
0x2e9: {  	v41 =	vand.u32 $0xF80, v41;
	v21 =	vor.u32 v21, v39;
	v4 =	vmul.f32 v36, v4;
	v7 =	vld.idx.msk [tilespmem:v52+s6+$0x0], $0xffff  }
0x2ea: {  	v42 =	vand.u32 $0xF80, v42;
	v54 =	vand.u32 $0xF80, v45;
	v22 =	vor.u32 v22, v41;
	[tilespmem:v18+s4+$0x0] =	vst.idx.add.f32.msk $0xffff, v17  }
0x2eb: {  	v45 =	vand.u32 $0xF80, v55;
	v23 =	vor.u32 v23, v42;
	v5 =	vmul.f32 v38, v5;
	[tilespmem:v19+s4+$0x0] =	vst.idx.add.f32.msk $0xffff, v4  }
0x2ec: {  	v24 =	vor.u32 v24, v54;
	v25 =	vor.u32 v25, v45;
	v6 =	vmul.f32 v40, v6;
	v52 =	vld [tilespmem:s18+$0x60]  }
0x2ed: {  	v60 =	vand.u32 $0xF80, v59;
	v51 =	vadd.s32 v0, v32;
	v8 =	vmul.f32 v53, v8;
	[tilespmem:v20+s4+$0x0] =	vst.idx.add.f32.msk $0xffff, v5  }
0x2ee: {  	v55 =	vand.u32 $0x7F, v31;
	v9 =	vmul.f32 v43, v9;
	v10 =	vmul.f32 v44, v10;
	[tilespmem:v21+s4+$0x0] =	vst.idx.add.f32.msk $0xffff, v6  }
0x2ef: {  	v54 =	vand.u32 $0xF80, v63;
	v14 =	vmul.f32 v46, v14;
	v17 =	vor.u32 v56, v58;
	[tilespmem:v22+s4+$0x0] =	vst.idx.add.f32.msk $0xffff, v8  }
0x2f0: {  	v53 =	vand.u32 $0x7F, v30;
	v4 =	vor.u32 v28, v60;
	[tilespmem:v23+s4+$0x0] =	vst.idx.add.f32.msk $0xffff, v9;
	v13 =	vmul.f32 v34, v13  }
0x2f1: {  	v59 =	vand.u32 $0xF80, v51;
	v18 =	vand.u32 $0xF80, v57;
	[tilespmem:v24+s4+$0x0] =	vst.idx.add.f32.msk $0xffff, v10;
	v5 =	vor.u32 v53, v54  }
0x2f2: {  	v19 =	vand.u32 $0xF80, v61;
	v57 =	vand.u32 $0x7F, v32;
	v18 =	vor.u32 v27, v18;
	[tilespmem:v25+s4+$0x0] =	vst.idx.add.f32.msk $0xffff, v13  }
0x2f3: {  	v60 =	vmul.f32 v47, v15;
	v61 =	vmul.f32 v62, v16;
	v19 =	vor.u32 v29, v19;
	v3 =	vld.idx.msk [tilespmem:v3+s6+$0x0], $0xffff  }
0x2f4: {  	v56 =	vand.u32 $0xF80, v49;
	v10 =	vor.u32 v57, v59;
	v62 =	vmul.f32 v48, v12;
	[tilespmem:v17+s4+$0x0] =	vst.idx.add.f32.msk $0xffff, v14  }
0x2f5: {  	v58 =	vmul.f32 v26, v11;
	v8 =	vor.u32 v55, v56;
	[tilespmem:v4+s4+$0x0] =	vst.idx.add.f32.msk $0xffff, v60  }
0x2f6: {  	[tilespmem:v5+s4+$0x0] =	vst.idx.add.f32.msk $0xffff, v62  }
0x2f7: {  	v63 =	vmul.f32 v52, v7;
	[tilespmem:v18+s4+$0x0] =	vst.idx.add.f32.msk $0xffff, v58  }
0x2f8: {  	[tilespmem:v19+s4+$0x0] =	vst.idx.add.f32.msk $0xffff, v61;
	v3 =	vmul.f32 v50, v3  }
0x2f9: {  	[tilespmem:v10+s4+$0x0] =	vst.idx.add.f32.msk $0xffff, v63  }
0x2fa: {  	s19 =	simm.s32 $0x0;
	s24 =	simm.s32 $0x19180;
	[tilespmem:v8+s4+$0x0] =	vst.idx.add.f32.msk $0xffff, v3  }
.LBB2_13:
0x2fb: {  	v3 =	vld [tilespmem:s24+$0x70];
	s19 =	sadd.s32 $0x10, s19  }
0x2fc: {  	v4 =	vld [tilespmem:s24+$0xFFFFFF90];
	p2 =	slt.u32 s19, $0xF0  }
0x2fd: {  	v5 =	vld [tilespmem:s24+$0xFFFFFFA0]  }
0x2fe: {  	s17 =	sadd.s32 $0x100, s17;
	v6 =	vld [tilespmem:s24+$0xFFFFFFB0]  }
0x2ff: {  	v7 =	vld [tilespmem:s17+$0x70]  }
0x300: {  	v8 =	vld [tilespmem:s24+$0xFFFFFFC0]  }
0x301: {  	v9 =	vld [tilespmem:s24+$0xFFFFFFD0]  }
0x302: {  	v10 =	vld [tilespmem:s24+$0xFFFFFFE0]  }
0x303: {  	s18 =	sadd.s32 $0x100, s18;
	v3 =	vld.idx.msk [tilespmem:v3+s6+$0x0], $0xffff  }
0x304: {  	v11 =	vadd.s32 v0, v7;
	v12 =	vld [tilespmem:s18+$0x70]  }
0x305: {  	v7 =	vand.u32 $0x7F, v7;
	v13 =	vld [tilespmem:s24+$0xFFFFFFF0];
	v11 =	vand.u32 $0xF80, v11  }
0x306: {  	v14 =	vld [tilespmem:s24+$0x0];
	v7 =	vor.u32 v7, v11  }
0x307: {  	v11 =	vld [tilespmem:s24+$0x10]  }
0x308: {  	v15 =	vld [tilespmem:s24+$0x20]  }
0x309: {  	v16 =	vld [tilespmem:s24+$0x30];
	v3 =	vmul.f32 v12, v3  }
0x30a: {  	v12 =	vld [tilespmem:s24+$0x40]  }
0x30b: {  	[tilespmem:v7+s4+$0x0] =	vst.idx.add.f32.msk $0xffff, v3  }
0x30c: {  	v3 =	vld [tilespmem:s24+$0x50]  }
0x30d: {  	v7 =	vld [tilespmem:s24+$0x60]  }
0x30e: {  	v17 =	vld [tilespmem:s24+$0xFFFFFF80]  }
0x30f: {  	v18 =	vld [tilespmem:s17+$0xFFFFFF80]  }
0x310: {  	v19 =	vld [tilespmem:s17+$0xFFFFFF90]  }
0x311: {  	v20 =	vld [tilespmem:s17+$0xFFFFFFA0]  }
0x312: {  	v21 =	vld [tilespmem:s17+$0xFFFFFFB0]  }
0x313: {  	v22 =	vld [tilespmem:s17+$0xFFFFFFC0]  }
0x314: {  	v23 =	vadd.s32 v0, v18;
	v18 =	vand.u32 $0x7F, v18;
	v24 =	vld [tilespmem:s17+$0xFFFFFFD0]  }
0x315: {  	v23 =	vand.u32 $0xF80, v23;
	v25 =	vadd.s32 v0, v19;
	v19 =	vand.u32 $0x7F, v19;
	v26 =	vld [tilespmem:s17+$0xFFFFFFE0]  }
0x316: {  	v25 =	vand.u32 $0xF80, v25;
	v27 =	vadd.s32 v0, v20;
	v20 =	vand.u32 $0x7F, v20;
	v28 =	vld [tilespmem:s17+$0xFFFFFFF0]  }
0x317: {  	v27 =	vand.u32 $0xF80, v27;
	v29 =	vadd.s32 v0, v21;
	v21 =	vand.u32 $0x7F, v21;
	v30 =	vld [tilespmem:s17+$0x0]  }
0x318: {  	v29 =	vand.u32 $0xF80, v29;
	v31 =	vadd.s32 v0, v22;
	v22 =	vand.u32 $0x7F, v22;
	v32 =	vld [tilespmem:s17+$0x10]  }
0x319: {  	v31 =	vand.u32 $0xF80, v31;
	v33 =	vadd.s32 v0, v24;
	v24 =	vand.u32 $0x7F, v24;
	v34 =	vld [tilespmem:s17+$0x20]  }
0x31a: {  	v33 =	vand.u32 $0xF80, v33;
	v35 =	vadd.s32 v0, v26;
	v26 =	vand.u32 $0x7F, v26;
	v36 =	vld [tilespmem:s17+$0x30]  }
0x31b: {  	v35 =	vand.u32 $0xF80, v35;
	v37 =	vadd.s32 v0, v28;
	v28 =	vand.u32 $0x7F, v28;
	v38 =	vld [tilespmem:s17+$0x40]  }
0x31c: {  	v37 =	vand.u32 $0xF80, v37;
	v39 =	vadd.s32 v0, v30;
	v30 =	vand.u32 $0x7F, v30;
	v40 =	vld [tilespmem:s17+$0x50]  }
0x31d: {  	v39 =	vand.u32 $0xF80, v39;
	v41 =	vadd.s32 v0, v32;
	v32 =	vand.u32 $0x7F, v32;
	v42 =	vld [tilespmem:s17+$0x60]  }
0x31e: {  	v17 =	vld.idx.msk [tilespmem:v17+s6+$0x0], $0xffff;
	v41 =	vand.u32 $0xF80, v41;
	v43 =	vadd.s32 v0, v34;
	v34 =	vand.u32 $0x7F, v34  }
0x31f: {  	v4 =	vld.idx.msk [tilespmem:v4+s6+$0x0], $0xffff;
	v43 =	vand.u32 $0xF80, v43;
	v44 =	vadd.s32 v0, v36;
	v36 =	vand.u32 $0x7F, v36  }
0x320: {  	v5 =	vld.idx.msk [tilespmem:v5+s6+$0x0], $0xffff;
	v44 =	vand.u32 $0xF80, v44;
	v45 =	vadd.s32 v0, v38;
	v38 =	vand.u32 $0x7F, v38  }
0x321: {  	v6 =	vld.idx.msk [tilespmem:v6+s6+$0x0], $0xffff;
	v45 =	vand.u32 $0xF80, v45;
	v46 =	vadd.s32 v0, v40;
	v40 =	vand.u32 $0x7F, v40  }
0x322: {  	v8 =	vld.idx.msk [tilespmem:v8+s6+$0x0], $0xffff;
	v46 =	vand.u32 $0xF80, v46;
	v47 =	vadd.s32 v0, v42;
	v42 =	vand.u32 $0x7F, v42  }
0x323: {  	v18 =	vor.u32 v18, v23;
	v19 =	vor.u32 v19, v25;
	v9 =	vld.idx.msk [tilespmem:v9+s6+$0x0], $0xffff;
	v23 =	vand.u32 $0xF80, v47  }
0x324: {  	v20 =	vor.u32 v20, v27;
	v21 =	vor.u32 v21, v29;
	v22 =	vor.u32 v22, v31;
	v10 =	vld.idx.msk [tilespmem:v10+s6+$0x0], $0xffff  }
0x325: {  	v24 =	vor.u32 v24, v33;
	v25 =	vor.u32 v26, v35;
	v26 =	vor.u32 v28, v37;
	v13 =	vld.idx.msk [tilespmem:v13+s6+$0x0], $0xffff  }
0x326: {  	v27 =	vor.u32 v30, v39;
	v28 =	vor.u32 v32, v41;
	v29 =	vor.u32 v34, v43;
	v14 =	vld.idx.msk [tilespmem:v14+s6+$0x0], $0xffff  }
0x327: {  	v30 =	vor.u32 v36, v44;
	v31 =	vor.u32 v38, v45;
	v32 =	vor.u32 v40, v46;
	v11 =	vld.idx.msk [tilespmem:v11+s6+$0x0], $0xffff  }
0x328: {  	v23 =	vor.u32 v42, v23;
	v15 =	vld.idx.msk [tilespmem:v15+s6+$0x0], $0xffff  }
0x329: {  	v16 =	vld.idx.msk [tilespmem:v16+s6+$0x0], $0xffff  }
0x32a: {  	v12 =	vld.idx.msk [tilespmem:v12+s6+$0x0], $0xffff  }
0x32b: {  	v3 =	vld.idx.msk [tilespmem:v3+s6+$0x0], $0xffff  }
0x32c: {  	v7 =	vld.idx.msk [tilespmem:v7+s6+$0x0], $0xffff  }
0x32d: {  	v33 =	vld [tilespmem:s18+$0xFFFFFF80]  }
0x32e: {  	v34 =	vld [tilespmem:s18+$0xFFFFFF90]  }
0x32f: {  	v35 =	vld [tilespmem:s18+$0xFFFFFFA0]  }
0x330: {  	v36 =	vld [tilespmem:s18+$0xFFFFFFB0]  }
0x331: {  	v37 =	vld [tilespmem:s18+$0xFFFFFFC0]  }
0x332: {  	v17 =	vmul.f32 v33, v17;
	v33 =	vld [tilespmem:s18+$0xFFFFFFD0]  }
0x333: {  	v4 =	vmul.f32 v34, v4;
	v34 =	vld [tilespmem:s18+$0xFFFFFFE0]  }
0x334: {  	v5 =	vmul.f32 v35, v5;
	v35 =	vld [tilespmem:s18+$0xFFFFFFF0]  }
0x335: {  	v6 =	vmul.f32 v36, v6;
	v36 =	vld [tilespmem:s18+$0x0]  }
0x336: {  	v8 =	vmul.f32 v37, v8;
	v37 =	vld [tilespmem:s18+$0x10]  }
0x337: {  	v9 =	vmul.f32 v33, v9;
	v33 =	vld [tilespmem:s18+$0x20]  }
0x338: {  	v10 =	vmul.f32 v34, v10;
	v34 =	vld [tilespmem:s18+$0x30]  }
0x339: {  	v13 =	vmul.f32 v35, v13;
	v35 =	vld [tilespmem:s18+$0x40]  }
0x33a: {  	v14 =	vmul.f32 v36, v14;
	v36 =	vld [tilespmem:s18+$0x50]  }
0x33b: {  	v11 =	vmul.f32 v37, v11;
	v37 =	vld [tilespmem:s18+$0x60]  }
0x33c: {  	[tilespmem:v18+s4+$0x0] =	vst.idx.add.f32.msk $0xffff, v17;
	v15 =	vmul.f32 v33, v15  }
0x33d: {  	[tilespmem:v19+s4+$0x0] =	vst.idx.add.f32.msk $0xffff, v4;
	v4 =	vmul.f32 v34, v16  }
0x33e: {  	[tilespmem:v20+s4+$0x0] =	vst.idx.add.f32.msk $0xffff, v5;
	v5 =	vmul.f32 v35, v12  }
0x33f: {  	[tilespmem:v21+s4+$0x0] =	vst.idx.add.f32.msk $0xffff, v6;
	v3 =	vmul.f32 v36, v3  }
0x340: {  	[tilespmem:v22+s4+$0x0] =	vst.idx.add.f32.msk $0xffff, v8;
	v6 =	vmul.f32 v37, v7  }
0x341: {  	[tilespmem:v24+s4+$0x0] =	vst.idx.add.f32.msk $0xffff, v9  }
0x342: {  	[tilespmem:v25+s4+$0x0] =	vst.idx.add.f32.msk $0xffff, v10  }
0x343: {  	[tilespmem:v26+s4+$0x0] =	vst.idx.add.f32.msk $0xffff, v13  }
0x344: {  	[tilespmem:v27+s4+$0x0] =	vst.idx.add.f32.msk $0xffff, v14  }
0x345: {  	[tilespmem:v28+s4+$0x0] =	vst.idx.add.f32.msk $0xffff, v11  }
.Ltmp5:
0x346: {  	[tilespmem:v29+s4+$0x0] =	vst.idx.add.f32.msk $0xffff, v15;
	(pc) =	sbr.rel @p2 .LBB2_13-.Ltmp5, $4  }
0x347: {  	[tilespmem:v30+s4+$0x0] =	vst.idx.add.f32.msk $0xffff, v4  }
0x348: {  	[tilespmem:v31+s4+$0x0] =	vst.idx.add.f32.msk $0xffff, v5  }
0x349: {  	[tilespmem:v32+s4+$0x0] =	vst.idx.add.f32.msk $0xffff, v3  }
0x34a: {  	s24 =	sadd.s32 $0x100, s24;
	[tilespmem:v23+s4+$0x0] =	vst.idx.add.f32.msk $0xffff, v6  }
.Ltmp6:
0x34b: {  	(pc) =	sbr.rel @p1 .LBB2_15-.Ltmp6, $1  }
0x34c: {  	_ =	sdelay $0x3  }
0x34d: {  	s5 =	sadd.s32 s16, s23  }
0x34e: {  	s5 =	sshrl.u32 s5, $0x3  }
0x34f: {  	s7 =	sadd.s32 s1, s5  }
0x350: {  	[tilespmem:s28], [sflag:$0x4] =	stream.linear.gather [hbm4b:s7+s6], $0x1000, $0x38;
	[tilespmem:$0x1F100] =	vst v63  }
.Ltmp7:
0x351: {  	_ = 	snop;
	(pc) =	sbr.rel .LBB2_6-.Ltmp7, $4  }
0x352: {  	s25 =	sadd.s32 s2, s5  }
0x353: {  	[tilespmem:s29], [sflag:$0x4] =	stream.linear.gather [hbm4b:s25+s6], $0x1000, $0x38;
	[tilespmem:$0x1F100] =	vst v63  }
0x354: {  	s15 =	sadd.s32 $0x1, s15;
	s5 =	sadd.s32 s0, s5  }
0x355: {  	[tilespmem:s30], [sflag:$0x4] =	stream.linear.gather [hbm4b:s5+s6], $0x1000, $0x38;
	[tilespmem:$0x1F100] =	vst v63  }
.LBB2_15:
0x356: {  	s16 =	rddreg [dreg:$0x9]  }
0x357: {  	v3 =	vor.u32 s16, v2  }
0x358: {  	s19 =	simm.s32 $0x12000;
	s15 =	simm.s32 $0x40;
	s17 =	simm.s32 $0x0;
	v3 =	vand.u32 $0xFFF, v3  }
.LBB2_16:
0x359: {  	p1 =	sne.s32 s15, $0x3FC0  }
0x35a: {  	[tilespmem:s17+$0x12000] =	vst v3;
	s16 =	sadd.s32 $0x10, s16;
	s5 =	smov.u32 s15;
	s15 =	sadd.s32 $0x40, s15  }
.Ltmp8:
0x35b: {  	(pc) =	sbr.rel @p1 .LBB2_16-.Ltmp8, $3  }
0x35c: {  	_ =	sdelay $0x1  }
0x35d: {  	v3 =	vor.u32 s16, v2  }
0x35e: {  	s17 =	sshra.s32 s5, $0x2;
	v3 =	vand.u32 $0xFFF, v3  }
0x35f: {  	[tilespmem:s17+$0x12000] =	vst v3  }
0x360: {  	s5 =	simm.s32 $0x1000;
	s24 =	simm.s32 $0x6;
	[bflag:$0x0] =	sbarrier.arrive $0xFFFF  }
0x361: {  	[spmem:s26] =	stream.indirect.scatter.add.f32 [tilespmem:s4], [sflag:$0x6], $0x1, s19, s5, $0xb8;
	[tilespmem:$0x1F100] =	vst v63  }
0x362: {  	_ =	swait.ge [sflag:s24], $0x1000  }
0x363: {  	[sflag:s24] =	ssyncset.done $0x0  }
0x364: {  	s7 =	simm.s32 @!p0 $0x1;
	[sflag:s24] =	ssyncadd.s32 $0xFFFFF000  }
0x365: {  	s15 =	simm.s32 @!p0 $0x20;
	s16 =	simm.s32 @!p0 $0x10;
	[bflag:$0x0] =	sbarrier.arrive $0xFFFF  }
0x366: {  	s17 =	simm.s32 @!p0 $0x1C06;
	s5 =	sshrl.u32 @!p0 s26, $0x3;
	s18 =	rddreg [dreg:$0x16]  }
0x367: {  	[hbm:s18@s15], [sflag:s17] =	dma.strided @!p0 [spmem:s5@s16], $0x200, s7, $0x10   }
0x368: {  	s5 =	simm.s32 @!p0 $0x6  }
0x369: {  	_ =	swait.ge @!p0 [sflag:s5], $0x200  }
0x36a: {  	s14 =	sadd.s32 $0x1, s14;
	s25 =	rddreg [dreg:$0x17]  }
0x36b: {  	p1 =	sne.s32 s14, s25  }
.Ltmp9:
0x36c: {  	_ = 	snop;
	(pc) =	sbr.rel @p1 .LBB2_1-.Ltmp9, $3  }
0x36d: {  	_ =	sdelay $0x1  }
0x36e: {  	[sflag:s5] =	ssyncset.done @!p0 $0x0  }
0x36f: {  	[sflag:s5] =	ssyncadd.s32 @!p0 $0xFFFFFE00  }
0x370: {  	_ =	sfence.sel $0x180000  }
0x371: {  	[bflag:$0x0] =	sbarrier.arrive $0xFFFF  }
0x372: {  	_ =	strace $0x90000047  }
0x373: {  	[bflag:$0x2] =	sbarrier.arrive $0xFFFF  }
0x374: {  	s0 =	rddreg [dreg:$0x8]  }
0x375: {  	s0 =	sadd.s32 @!p0 $0x100000, s0  }
0x376: {  	[sflag:s0] =	ssyncadd.tile.s32 @!p0 $0x1;
	_ =	shalt  }
.Lfunc_end2:
_tile_overlayer_lowered:
.L_overlay_start_2:
0x377: {  	(tag) =	ssettag $0x2  }
0x378: {  	s0 =	rddreg [dreg:$0x0];
	s2 =	stileid.u32  }
0x379: {  	s1 =	rddreg [dreg:$0x1];
	p0 =	sne.s32 s2, $0x0  }
0x37a: {  	s3 =	rddreg [dreg:$0x2];
	[bflag:$0x3] =	sbarrier.arrive $0xFFFF;
	s2 =	simm.s32 @!p0 $0x1C06  }
0x37b: {  	[timem:s3], [sflag:s2] =	dma.local @!p0 [hbm:s0], s1  }
0x37c: {  	s0 =	simm.s32 @!p0 $0x6  }
0x37d: {  	_ =	swait.ge @!p0 [sflag:s0], s1  }
0x37e: {  	s1 =	ssub.s32 @!p0 $0x0, s1;
	[sflag:s0] =	ssyncset.done @!p0 $0x0  }
0x37f: {  	[sflag:s0] =	ssyncadd.s32 @!p0 s1  }
0x380: {  	[bflag:$0x3] =	sbarrier.arrive $0xFFFF  }
0x381: {  	_ =	shalt  }

</sc_bundles>
